<compile_context>
chip_gen: v7x
topology: tpu7x:2x2x1
jax: 0.10.2.dev20260603
libtpu: 0.0.44.dev20260713+nightly
codegen_flags: <defaults>
</compile_context>

<pallas_src>
import functools

import jax
import jax.numpy as jnp
from jax import lax
from jax.experimental import pallas as pl
from jax.experimental.pallas import tpu as pltpu
from jax.experimental.pallas import tpu_sc as plsc

N = 10000
E = 320000
D = 128
G = 64
NC = 2
NS = 16
CB = 128
CHUNKS = 80
EPAD = NC * NS * CHUNKS * CB
NPAD = 10240
RPT = NPAD // NS
DEGP = 10240
NB = 16
R = NPAD // NB

@functools.cache
def _mesh():
    return plsc.VectorSubcoreMesh(core_axis_name="c", subcore_axis_name="s",
                                  num_cores=NC, num_subcores=NS)


def _sc_deg_body(dst_hbm, degp_hbm, dst_v, deg_v):
    w = lax.axis_index("c") * NS + lax.axis_index("s")
    pltpu.sync_copy(dst_hbm.at[w], dst_v)

    zeros16 = jnp.zeros((16,), jnp.float32)
    ones16 = jnp.ones((16,), jnp.float32)

    def zbody(i, _):
        deg_v[pl.ds(i * 16, 16)] = zeros16
        return 0
    lax.fori_loop(0, DEGP // 16, zbody, 0)

    def hbody(i, _):
        idx = dst_v[pl.ds(i * 16, 16)]
        plsc.addupdate_scatter(deg_v, [idx], ones16)
        return 0
    lax.fori_loop(0, (CHUNKS * CB) // 16, hbody, 0)

    pltpu.sync_copy(deg_v, degp_hbm.at[w])


def _sc_deg(dst_flat):
    return pl.kernel(
        _sc_deg_body,
        out_type=jax.ShapeDtypeStruct((NC * NS, DEGP), jnp.float32),
        mesh=_mesh(),
        scratch_types=[
            pltpu.VMEM((CHUNKS * CB,), jnp.int32),
            pltpu.VMEM((DEGP,), jnp.float32),
        ],
        compiler_params=pltpu.CompilerParams(needs_layout_passes=False),
    )(dst_flat)


WIN = 40
NSPLIT = 1
C0 = 120
C1 = 2 * CHUNKS - C0
NCHUNK_TOT = NS * (C0 + C1)


def _sc_agg_body(hs_hbm, src_hbm, dst_hbm, zrow_hbm, out_hbm,
                 src_v, dst_v, buf_a, buf_b, acc_sh,
                 gsem_a, gsem_b, ssem_a, ssem_b):
    c = lax.axis_index("c")
    s = lax.axis_index("s")

    pltpu.sync_copy(zrow_hbm, acc_sh.at[pl.ds(s * RPT, RPT)])
    plsc.subcore_barrier()

    QR = CB // NSPLIT

    def gather(j, buf, gsem):
        for q in range(NSPLIT):
            pltpu.async_copy(hs_hbm.at[src_v.at[j, pl.ds(q * QR, QR)]],
                             buf.at[pl.ds(q * QR, QR)], gsem)

    def gather_wait(j, buf, gsem):
        for q in range(NSPLIT):
            pltpu.make_async_copy(hs_hbm.at[src_v.at[j, pl.ds(q * QR, QR)]],
                                  buf.at[pl.ds(q * QR, QR)], gsem).wait()

    def scat(j, buf, ssem):
        return pltpu.async_copy(buf, acc_sh.at[dst_v.at[j]], ssem, add=True)

    def scat_wait(j, buf, ssem):
        pltpu.make_async_copy(buf, acc_sh.at[dst_v.at[j]], ssem).wait()

    base = jnp.where(c == 0, s * C0, NS * C0 + s * C1)
    nwin = jnp.where(c == 0, C0 // WIN, C1 // WIN)

    def window(h, _):
        pltpu.sync_copy(src_hbm.at[pl.ds(base + h * WIN, WIN)], src_v)
        pltpu.sync_copy(dst_hbm.at[pl.ds(base + h * WIN, WIN)], dst_v)
        gather(0, buf_a, gsem_a)

        def body(k, _):
            j = 2 * k
            gather(j + 1, buf_b, gsem_b)
            gather_wait(j, buf_a, gsem_a)
            scat(j, buf_a, ssem_a)
            gather_wait(j + 1, buf_b, gsem_b)
            scat(j + 1, buf_b, ssem_b)
            scat_wait(j, buf_a, ssem_a)

            @pl.when(j + 2 < WIN)
            def _():
                gather(j + 2, buf_a, gsem_a)

            scat_wait(j + 1, buf_b, ssem_b)
            return 0

        lax.fori_loop(0, WIN // 2, body, 0)
        return 0

    lax.fori_loop(0, nwin, window, 0)

    plsc.subcore_barrier()
    pltpu.sync_copy(acc_sh.at[pl.ds(s * RPT, RPT)],
                    out_hbm.at[c, pl.ds(s * RPT, RPT)])


def _sc_agg(hs, src_p, dst_p, zrow):
    return pl.kernel(
        _sc_agg_body,
        out_type=jax.ShapeDtypeStruct((NC, NPAD, D), jnp.float32),
        mesh=_mesh(),
        scratch_types=[
            pltpu.VMEM((WIN, CB), jnp.int32),
            pltpu.VMEM((WIN, CB), jnp.int32),
            pltpu.VMEM((CB, D), jnp.float32),
            pltpu.VMEM((CB, D), jnp.float32),
            pltpu.VMEM_SHARED((NPAD, D), jnp.float32),
            pltpu.SemaphoreType.DMA,
            pltpu.SemaphoreType.DMA,
            pltpu.SemaphoreType.DMA,
            pltpu.SemaphoreType.DMA,
        ],
        compiler_params=pltpu.CompilerParams(needs_layout_passes=False),
    )(hs, src_p, dst_p, zrow)


def _dinv_from(degt):
    deg = jnp.sum(degt, axis=1, keepdims=True) + 1.0
    return lax.rsqrt(jnp.maximum(deg, 1.0))


def _tc_scale_mm_body(x_ref, w_ref, degt_ref, o_ref):
    dinv = _dinv_from(degt_ref[...])
    o_ref[...] = jnp.dot(x_ref[...], w_ref[...],
                         preferred_element_type=jnp.float32) * dinv


def _tc_layer_body(hs_ref, p0_ref, p1_ref, degt_ref, b_ref, w_ref, o_ref):
    i = pl.program_id(0)
    dinv = _dinv_from(degt_ref[...])
    h = dinv * (hs_ref[...] + p0_ref[...] + p1_ref[...]) + b_ref[...]
    h = jnp.maximum(h, 0.0)
    rows = i * R + lax.broadcasted_iota(jnp.int32, (R, 1), 0)
    h = jnp.where(rows < N, h, 0.0)
    o_ref[...] = jnp.dot(h, w_ref[...],
                         preferred_element_type=jnp.float32) * dinv


def _tc_pool_body(hs_ref, p0_ref, p1_ref, degt_ref, b_ref, batch_ref,
                  wl_ref, bl_ref, o_ref, sums, counts):
    i = pl.program_id(0)

    @pl.when(i == 0)
    def _():
        sums[...] = jnp.zeros_like(sums)
        counts[...] = jnp.zeros_like(counts)

    dinv = _dinv_from(degt_ref[...])
    h = dinv * (hs_ref[...] + p0_ref[...] + p1_ref[...]) + b_ref[...]
    h = jnp.maximum(h, 0.0)
    bb = batch_ref[...].reshape(1, R)
    gids = lax.broadcasted_iota(jnp.int32, (G, R), 0)
    mask = (gids == bb).astype(jnp.float32)
    sums[...] += jnp.dot(mask, h, preferred_element_type=jnp.float32)
    counts[...] += jnp.sum(mask, axis=1, keepdims=True)

    @pl.when(i == NB - 1)
    def _():
        g = sums[...] / jnp.maximum(counts[...], 1.0)
        o_ref[...] = jnp.dot(g, wl_ref[...],
                             preferred_element_type=jnp.float32) + bl_ref[...]


def _row_spec(i_map=lambda i: (i, 0)):
    return pl.BlockSpec((R, D), i_map)


_full_w = pl.BlockSpec((D, D), lambda i: (0, 0))
_degt_spec = pl.BlockSpec((R, 32), lambda i: (i, 0))
_bias_spec = pl.BlockSpec((1, D), lambda i: (0, 0))


def _tc_scale_mm(x, w, degt):
    return pl.pallas_call(
        _tc_scale_mm_body,
        grid=(NB,),
        in_specs=[_row_spec(), _full_w, _degt_spec],
        out_specs=_row_spec(),
        out_shape=jax.ShapeDtypeStruct((NPAD, D), jnp.float32),
        compiler_params=pltpu.CompilerParams(
            dimension_semantics=("arbitrary",)),
    )(x, w, degt)


def _tc_layer(hs, p0, p1, degt, b, w):
    return pl.pallas_call(
        _tc_layer_body,
        grid=(NB,),
        in_specs=[_row_spec(), _row_spec(), _row_spec(), _degt_spec,
                  _bias_spec, _full_w],
        out_specs=_row_spec(),
        out_shape=jax.ShapeDtypeStruct((NPAD, D), jnp.float32),
        input_output_aliases={0: 0},
        compiler_params=pltpu.CompilerParams(
            dimension_semantics=("arbitrary",)),
    )(hs, p0, p1, degt, b, w)


def _tc_pool(hs, p0, p1, degt, b, batch3, wl, bl):
    return pl.pallas_call(
        _tc_pool_body,
        grid=(NB,),
        in_specs=[_row_spec(), _row_spec(), _row_spec(), _degt_spec,
                  _bias_spec, pl.BlockSpec((1, 1, R), lambda i: (i, 0, 0)),
                  _full_w, _bias_spec],
        out_specs=pl.BlockSpec((G, D), lambda i: (0, 0)),
        out_shape=jax.ShapeDtypeStruct((G, D), jnp.float32),
        scratch_shapes=[pltpu.VMEM((G, D), jnp.float32),
                        pltpu.VMEM((G, 1), jnp.float32)],
        compiler_params=pltpu.CompilerParams(
            dimension_semantics=("arbitrary",)),
    )(hs, p0, p1, degt, b, batch3, wl, bl)


@jax.jit
def _run(x, edge_index, batch, W1, b1, W2, b2, Wl, bl):
    src = edge_index[0].astype(jnp.int32)
    dst = edge_index[1].astype(jnp.int32)
    padfill = jnp.full((EPAD - E,), N, jnp.int32)
    src_p = jnp.concatenate([src, padfill]).reshape(NCHUNK_TOT, CB)
    dst_p = jnp.concatenate([dst, padfill])
    dst_flat = dst_p.reshape(NC * NS, CHUNKS * CB)
    dst_p = dst_p.reshape(NCHUNK_TOT, CB)

    degp = _sc_deg(dst_flat)
    degt = degp.T[:NPAD]

    x_pad = jnp.zeros((NPAD, D), jnp.float32).at[:N].set(x)
    zrow = jnp.zeros((RPT, D), jnp.float32)
    batch3 = (jnp.concatenate([batch.astype(jnp.int32),
                               jnp.full((NPAD - N,), G, jnp.int32)])
              .reshape(NB, 1, R))
    wl_pad = jnp.zeros((D, D), jnp.float32).at[:, :2].set(Wl)
    bl_pad = jnp.zeros((1, D), jnp.float32).at[0, :2].set(bl)

    hs1 = _tc_scale_mm(x_pad, W1, degt)
    parts1 = _sc_agg(hs1, src_p, dst_p, zrow)
    hs2 = _tc_layer(hs1, parts1[0], parts1[1], degt,
                    b1.reshape(1, D), W2)
    parts2 = _sc_agg(hs2, src_p, dst_p, zrow)
    out = _tc_pool(hs2, parts2[0], parts2[1], degt, b2.reshape(1, D),
                   batch3, wl_pad, bl_pad)
    return out[:, :2]


def kernel(x, edge_index, batch, W1, b1, W2, b2, Wl, bl):
    return _run(x, edge_index, batch, W1, b1, W2, b2, Wl, bl)

# --- scband reference (transcript-rebuilt; emitter-appended) ---
"""Pipeline reference for scband-gcnregression-69758858822059 (READ-ONLY COPY).

The authoritative reference and input builder live on the scoring server;
editing this copy changes nothing except your own understanding.
"""

import jax, jax.numpy as jnp
import numpy as np

N_NODES = 10000
N_EDGES = 320000
D_FEAT = 128
HIDDEN = 128
N_GRAPHS = 64


def setup_inputs(seed: int = 0) -> dict:
    key = jax.random.key(seed)
    ks = jax.random.split(key, 10)
    x = jax.random.normal(ks[0], (N_NODES, D_FEAT), dtype=jnp.float32)
    edge_index = jax.random.randint(ks[1], (2, N_EDGES), 0, N_NODES, dtype=jnp.int64)
    batch = jnp.sort(jax.random.randint(ks[2], (N_NODES,), 0, N_GRAPHS, dtype=jnp.int64))
    s1 = 1.0 / np.sqrt(D_FEAT)
    s2 = 1.0 / np.sqrt(HIDDEN)
    W1 = jax.random.uniform(ks[3], (D_FEAT, HIDDEN), dtype=jnp.float32, minval=-s1, maxval=s1)
    b1 = jnp.zeros((HIDDEN,), dtype=jnp.float32)
    W2 = jax.random.uniform(ks[4], (HIDDEN, HIDDEN), dtype=jnp.float32, minval=-s2, maxval=s2)
    b2 = jnp.zeros((HIDDEN,), dtype=jnp.float32)
    Wl = jax.random.uniform(ks[5], (HIDDEN, 2), dtype=jnp.float32, minval=-s2, maxval=s2)
    bl = jax.random.uniform(ks[6], (2,), dtype=jnp.float32, minval=-s2, maxval=s2)
    return {"x": x, "edge_index": edge_index, "batch": batch,
            "W1": W1, "b1": b1, "W2": W2, "b2": b2, "Wl": Wl, "bl": bl}


def _gcn_conv(x, src, dst, W, b, n_nodes):
    # GCNConv: symmetric normalization with self-loops: D^-1/2 (A+I) D^-1/2 X W + b
    h = x @ W
    deg = jnp.zeros((n_nodes,), dtype=x.dtype).at[dst].add(1.0)
    dinv = jax.lax.rsqrt(jnp.maximum(deg, 1.0))
    norm = dinv[src] * dinv[dst]
    msg = h[src] * norm[:, None]
    out = jax.ops.segment_sum(msg, dst, num_segments=n_nodes)
    return out + b


def _global_mean_pool(x, batch, n_graphs):
    sums = jax.ops.segment_sum(x, batch, num_segments=n_graphs)
    counts = jax.ops.segment_sum(jnp.ones((x.shape[0],), dtype=x.dtype), batch, num_segments=n_graphs)
    return sums / jnp.maximum(counts, 1.0)[:, None]


def reference(x, edge_index, batch, W1, b1, W2, b2, Wl, bl):
    n_nodes = x.shape[0]
    loop = jnp.arange(n_nodes, dtype=edge_index.dtype)
    src = jnp.concatenate([edge_index[0], loop])
    dst = jnp.concatenate([edge_index[1], loop])
    h = jax.nn.relu(_gcn_conv(x, src, dst, W1, b1, n_nodes))
    h = jax.nn.relu(_gcn_conv(h, src, dst, W2, b2, n_nodes))
    g = _global_mean_pool(h, batch, N_GRAPHS)
    out = g @ Wl + bl
    return out

if __name__ == "__main__":
    import jax
    _d = setup_inputs()
    print(jax.jit(kernel)(*tuple(_d.values())))

</pallas_src>

<mosaic_0001>
#map = affine_map<(d0, d1) -> (0, 0)>
module attributes {stable_mosaic.version = 14 : i64} {
  func.func @_sc_deg_body(%arg0: i32, %arg1: i32, %arg2: memref<32x10240xi32, #tpu.memory_space<hbm>>, %arg3: memref<32x10240xf32, #tpu.memory_space<hbm>>, %arg4: memref<10240xi32, #tpu.memory_space<vmem>>, %arg5: memref<10240xf32, #tpu.memory_space<vmem>>) attributes {dimension_semantics = [#tpu.dimension_semantics<core_parallel>, #tpu.dimension_semantics<subcore_parallel>], iteration_bounds = array<i64: 2, 16>, scalar_prefetch = 0 : i64, scratch_operands = 2 : i64, tpu.core_type = #tpu.core_type<sc_vector_subcore>, window_params = [{transform_indices = #map}, {transform_indices = #map}]} {
    %mul3A = arith.constant 16 : i32
    %mul3A_0 = arith.muli %arg0, %mul3A : i32
    %add3A = arith.addi %mul3A_0, %arg1 : i32
    "tpu.region"() ({
      %run_scoped3A = tpu.sem_alloc : memref<!tpu.dma_semaphore, #tpu.memory_space<semaphore_mem>>
      %dma_start3A = arith.constant 0 : i32
      %dma_start3A_17 = tpu.memref_slice %arg2[%add3A, %dma_start3A] : memref<32x10240xi32, #tpu.memory_space<hbm>> -> memref<1x10240xi32, #tpu.memory_space<hbm>>
      %dma_start3A_18 = tpu.memref_squeeze %dma_start3A_17 : memref<1x10240xi32, #tpu.memory_space<hbm>> -> memref<10240xi32, #tpu.memory_space<hbm>>
      %dma_start3A_19 = arith.constant 0 : i32
      %dma_start3A_20 = tpu.memref_slice %arg2[%add3A, %dma_start3A_19] : memref<32x10240xi32, #tpu.memory_space<hbm>> -> memref<1x10240xi32, #tpu.memory_space<hbm>>
      %dma_start3A_21 = tpu.memref_squeeze %dma_start3A_20 : memref<1x10240xi32, #tpu.memory_space<hbm>> -> memref<10240xi32, #tpu.memory_space<hbm>>
      tpu.enqueue_dma source(%dma_start3A_21 : memref<10240xi32, #tpu.memory_space<hbm>>) target(%arg4 : memref<10240xi32, #tpu.memory_space<vmem>>) target_semaphore(%run_scoped3A : memref<!tpu.dma_semaphore, #tpu.memory_space<semaphore_mem>>)
      %dma_wait3A = arith.constant 0 : i32
      %dma_wait3A_22 = tpu.memref_slice %arg2[%add3A, %dma_wait3A] : memref<32x10240xi32, #tpu.memory_space<hbm>> -> memref<1x10240xi32, #tpu.memory_space<hbm>>
      %dma_wait3A_23 = tpu.memref_squeeze %dma_wait3A_22 : memref<1x10240xi32, #tpu.memory_space<hbm>> -> memref<10240xi32, #tpu.memory_space<hbm>>
      %dma_wait3A_24 = arith.constant 0 : i32
      %dma_wait3A_25 = tpu.memref_slice %arg2[%add3A, %dma_wait3A_24] : memref<32x10240xi32, #tpu.memory_space<hbm>> -> memref<1x10240xi32, #tpu.memory_space<hbm>>
      %dma_wait3A_26 = tpu.memref_squeeze %dma_wait3A_25 : memref<1x10240xi32, #tpu.memory_space<hbm>> -> memref<10240xi32, #tpu.memory_space<hbm>>
      tpu.wait_dma2 semaphore(%run_scoped3A : memref<!tpu.dma_semaphore, #tpu.memory_space<semaphore_mem>>) src(%dma_wait3A_26 : memref<10240xi32, #tpu.memory_space<hbm>>) dst(%arg4 : memref<10240xi32, #tpu.memory_space<vmem>>)
      tpu.yield
    }) : () -> ()
    %broadcast_in_dim3A = arith.constant 0.000000e+00 : f32
    %broadcast_in_dim3A_1 = vector.broadcast %broadcast_in_dim3A : f32 to vector<16xf32>
    %broadcast_in_dim3A_2 = arith.constant 1.000000e+00 : f32
    %broadcast_in_dim3A_3 = vector.broadcast %broadcast_in_dim3A_2 : f32 to vector<16xf32>
    %scan3A = arith.constant 0 : i32
    %scan3A_4 = arith.constant 0 : i32
    %scan3A_5 = arith.constant 640 : i32
    %scan3A_6 = arith.addi %scan3A_4, %scan3A_5 : i32
    %scan3A_7 = arith.constant 1 : i32
    %scan3A_8 = scf.for %scan3A_17 = %scan3A_4 to %scan3A_6 step %scan3A_7 iter_args(%scan3A_18 = %scan3A) -> (i32)  : i32 {
      %mul3A_19 = arith.constant 16 : i32
      %mul3A_20 = arith.muli %scan3A_17, %mul3A_19 : i32
      %swap3A = arith.index_cast %mul3A_20 : i32 to index
      %swap3A_21 = tpu.vector_load %arg5[%swap3A] {strides = array<i32>} : memref<10240xf32, #tpu.memory_space<vmem>>, vector<16xf32>,
      tpu.vector_store %arg5[%swap3A], %broadcast_in_dim3A_1 {strides = array<i32>} : memref<10240xf32, #tpu.memory_space<vmem>>, vector<16xf32>,
      %scan3A_22 = arith.constant 0 : i32
      scf.yield %scan3A_22 : i32
    }
    %scan3A_9 = arith.constant 640 : i32
    %scan3A_10 = arith.constant 0 : i32
    %scan3A_11 = arith.constant 0 : i32
    %scan3A_12 = arith.constant 640 : i32
    %scan3A_13 = arith.addi %scan3A_11, %scan3A_12 : i32
    %scan3A_14 = arith.constant 1 : i32
    %scan3A_15 = scf.for %scan3A_17 = %scan3A_11 to %scan3A_13 step %scan3A_14 iter_args(%scan3A_18 = %scan3A_10) -> (i32)  : i32 {
      %mul3A_19 = arith.constant 16 : i32
      %mul3A_20 = arith.muli %scan3A_17, %mul3A_19 : i32
      %get3A = arith.index_cast %mul3A_20 : i32 to index
      %get3A_21 = tpu.vector_load %arg4[%get3A] {strides = array<i32>} : memref<10240xi32, #tpu.memory_space<vmem>>, vector<16xi32>,
      tpu.vector_store_idx %arg5[%get3A_21], %broadcast_in_dim3A_3 {add = true} : memref<10240xf32, #tpu.memory_space<vmem>>[vector<16xi32>], vector<16xf32>,
      %scan3A_22 = arith.constant 0 : i32
      scf.yield %scan3A_22 : i32
    }
    %scan3A_16 = arith.constant 640 : i32
    "tpu.region"() ({
      %run_scoped3A = tpu.sem_alloc : memref<!tpu.dma_semaphore, #tpu.memory_space<semaphore_mem>>
      %dma_start3A = arith.constant 0 : i32
      %dma_start3A_17 = tpu.memref_slice %arg3[%add3A, %dma_start3A] : memref<32x10240xf32, #tpu.memory_space<hbm>> -> memref<1x10240xf32, #tpu.memory_space<hbm>>
      %dma_start3A_18 = tpu.memref_squeeze %dma_start3A_17 : memref<1x10240xf32, #tpu.memory_space<hbm>> -> memref<10240xf32, #tpu.memory_space<hbm>>
      %dma_start3A_19 = arith.constant 0 : i32
      %dma_start3A_20 = tpu.memref_slice %arg3[%add3A, %dma_start3A_19] : memref<32x10240xf32, #tpu.memory_space<hbm>> -> memref<1x10240xf32, #tpu.memory_space<hbm>>
      %dma_start3A_21 = tpu.memref_squeeze %dma_start3A_20 : memref<1x10240xf32, #tpu.memory_space<hbm>> -> memref<10240xf32, #tpu.memory_space<hbm>>
      tpu.enqueue_dma source(%arg5 : memref<10240xf32, #tpu.memory_space<vmem>>) target(%dma_start3A_21 : memref<10240xf32, #tpu.memory_space<hbm>>) target_semaphore(%run_scoped3A : memref<!tpu.dma_semaphore, #tpu.memory_space<semaphore_mem>>)
      %dma_wait3A = arith.constant 0 : i32
      %dma_wait3A_22 = tpu.memref_slice %arg3[%add3A, %dma_wait3A] : memref<32x10240xf32, #tpu.memory_space<hbm>> -> memref<1x10240xf32, #tpu.memory_space<hbm>>
      %dma_wait3A_23 = tpu.memref_squeeze %dma_wait3A_22 : memref<1x10240xf32, #tpu.memory_space<hbm>> -> memref<10240xf32, #tpu.memory_space<hbm>>
      %dma_wait3A_24 = arith.constant 0 : i32
      %dma_wait3A_25 = tpu.memref_slice %arg3[%add3A, %dma_wait3A_24] : memref<32x10240xf32, #tpu.memory_space<hbm>> -> memref<1x10240xf32, #tpu.memory_space<hbm>>
      %dma_wait3A_26 = tpu.memref_squeeze %dma_wait3A_25 : memref<1x10240xf32, #tpu.memory_space<hbm>> -> memref<10240xf32, #tpu.memory_space<hbm>>
      tpu.wait_dma2 semaphore(%run_scoped3A : memref<!tpu.dma_semaphore, #tpu.memory_space<semaphore_mem>>) src(%arg5 : memref<10240xf32, #tpu.memory_space<vmem>>) dst(%dma_wait3A_26 : memref<10240xf32, #tpu.memory_space<hbm>>)
      tpu.yield
    }) : () -> ()
    return
  }
}

#map = affine_map<(d0, d1) -> (0, 0)>
#map1 = affine_map<(d0, d1) -> (0, 0, 0)>
module attributes {stable_mosaic.version = 14 : i64} {
  func.func @_sc_agg_body(%arg0: i32, %arg1: i32, %arg2: memref<10240x128xf32, #tpu.memory_space<hbm>>, %arg3: memref<2560x128xi32, #tpu.memory_space<hbm>>, %arg4: memref<2560x128xi32, #tpu.memory_space<hbm>>, %arg5: memref<640x128xf32, #tpu.memory_space<hbm>>, %arg6: memref<2x10240x128xf32, #tpu.memory_space<hbm>>, %arg7: memref<40x128xi32, #tpu.memory_space<vmem>>, %arg8: memref<40x128xi32, #tpu.memory_space<vmem>>, %arg9: memref<128x128xf32, #tpu.memory_space<vmem>>, %arg10: memref<128x128xf32, #tpu.memory_space<vmem>>, %arg11: memref<10240x128xf32, #tpu.memory_space<vmem_shared>>, %arg12: memref<!tpu.dma_semaphore, #tpu.memory_space<semaphore_mem>>, %arg13: memref<!tpu.dma_semaphore, #tpu.memory_space<semaphore_mem>>, %arg14: memref<!tpu.dma_semaphore, #tpu.memory_space<semaphore_mem>>, %arg15: memref<!tpu.dma_semaphore, #tpu.memory_space<semaphore_mem>>) attributes {dimension_semantics = [#tpu.dimension_semantics<core_parallel>, #tpu.dimension_semantics<subcore_parallel>], iteration_bounds = array<i64: 2, 16>, scalar_prefetch = 0 : i64, scratch_operands = 9 : i64, tpu.core_type = #tpu.core_type<sc_vector_subcore>, window_params = [{transform_indices = #map}, {transform_indices = #map}, {transform_indices = #map}, {transform_indices = #map}, {transform_indices = #map1}]} {
    %mul3A = arith.constant 640 : i32
    %mul3A_0 = arith.muli %arg1, %mul3A : i32
    "tpu.region"() ({
      %run_scoped3A = tpu.sem_alloc : memref<!tpu.dma_semaphore, #tpu.memory_space<semaphore_mem>>
      %dma_start3A = arith.constant 0 : i32
      %dma_start3A_27 = tpu.memref_slice %arg11[%mul3A_0, %dma_start3A] : memref<10240x128xf32, #tpu.memory_space<vmem_shared>> -> memref<640x128xf32, #tpu.memory_space<vmem_shared>>
      tpu.enqueue_dma source(%arg5 : memref<640x128xf32, #tpu.memory_space<hbm>>) target(%dma_start3A_27 : memref<640x128xf32, #tpu.memory_space<vmem_shared>>) target_semaphore(%run_scoped3A : memref<!tpu.dma_semaphore, #tpu.memory_space<semaphore_mem>>)
      %dma_wait3A = arith.constant 0 : i32
      %dma_wait3A_28 = tpu.memref_slice %arg11[%mul3A_0, %dma_wait3A] : memref<10240x128xf32, #tpu.memory_space<vmem_shared>> -> memref<640x128xf32, #tpu.memory_space<vmem_shared>>
      tpu.wait_dma2 semaphore(%run_scoped3A : memref<!tpu.dma_semaphore, #tpu.memory_space<semaphore_mem>>) src(%arg5 : memref<640x128xf32, #tpu.memory_space<hbm>>) dst(%dma_wait3A_28 : memref<640x128xf32, #tpu.memory_space<vmem_shared>>)
      tpu.yield
    }) : () -> ()
    %barrier3A = arith.constant 0 : index
    tpu.barrier barrier_id(%barrier3A)
    %eq3A = arith.constant 0 : i32
    %eq3A_1 = arith.cmpi eq, %arg0, %eq3A : i32
    %mul3A_2 = arith.constant 120 : i32
    %mul3A_3 = arith.muli %arg1, %mul3A_2 : i32
    %mul3A_4 = arith.constant 40 : i32
    %mul3A_5 = arith.muli %arg1, %mul3A_4 : i32
    %add3A = arith.constant 1920 : i32
    %add3A_6 = arith.addi %add3A, %mul3A_5 : i32
    %select_n3A = arith.select %eq3A_1, %mul3A_3, %add3A_6 : i32
    %eq3A_7 = arith.constant 0 : i32
    %eq3A_8 = arith.cmpi eq, %arg0, %eq3A_7 : i32
    %jit3A = arith.constant 3 : i32
    %jit3A_9 = arith.constant 1 : i32
    %select_n3A_10 = arith.select %eq3A_8, %jit3A, %jit3A_9 : i32
    %while3A = arith.constant 0 : i32
    %while3A_11 = arith.constant 0 : i32
    %while3A_12 = arith.subi %select_n3A_10, %while3A : i32
    %while3A_13 = arith.addi %while3A, %while3A_12 : i32
    %while3A_14 = arith.constant 1 : i32
    %while3A_15 = arith.divsi %while3A_12, %while3A_14 : i32
    %while3A_16 = arith.muli %while3A_15, %while3A_14 : i32
    %while3A_17 = arith.addi %while3A, %while3A_16 : i32
    %while3A_18 = arith.constant 1 : i32
    %while3A_19 = scf.for %while3A_27 = %while3A to %while3A_17 step %while3A_18 iter_args(%while3A_28 = %while3A_11) -> (i32)  : i32 {
      %mul3A_29 = arith.constant 40 : i32
      %mul3A_30 = arith.muli %while3A_27, %mul3A_29 : i32
      %add3A_31 = arith.addi %select_n3A, %mul3A_30 : i32
      "tpu.region"() ({
        %run_scoped3A = tpu.sem_alloc : memref<!tpu.dma_semaphore, #tpu.memory_space<semaphore_mem>>
        %dma_start3A_51 = arith.constant 0 : i32
        %dma_start3A_52 = tpu.memref_slice %arg3[%add3A_31, %dma_start3A_51] : memref<2560x128xi32, #tpu.memory_space<hbm>> -> memref<40x128xi32, #tpu.memory_space<hbm>>
        %dma_start3A_53 = arith.constant 0 : i32
        %dma_start3A_54 = tpu.memref_slice %arg3[%add3A_31, %dma_start3A_53] : memref<2560x128xi32, #tpu.memory_space<hbm>> -> memref<40x128xi32, #tpu.memory_space<hbm>>
        tpu.enqueue_dma source(%dma_start3A_54 : memref<40x128xi32, #tpu.memory_space<hbm>>) target(%arg7 : memref<40x128xi32, #tpu.memory_space<vmem>>) target_semaphore(%run_scoped3A : memref<!tpu.dma_semaphore, #tpu.memory_space<semaphore_mem>>)
        %dma_wait3A = arith.constant 0 : i32
        %dma_wait3A_55 = tpu.memref_slice %arg3[%add3A_31, %dma_wait3A] : memref<2560x128xi32, #tpu.memory_space<hbm>> -> memref<40x128xi32, #tpu.memory_space<hbm>>
        %dma_wait3A_56 = arith.constant 0 : i32
        %dma_wait3A_57 = tpu.memref_slice %arg3[%add3A_31, %dma_wait3A_56] : memref<2560x128xi32, #tpu.memory_space<hbm>> -> memref<40x128xi32, #tpu.memory_space<hbm>>
        tpu.wait_dma2 semaphore(%run_scoped3A : memref<!tpu.dma_semaphore, #tpu.memory_space<semaphore_mem>>) src(%dma_wait3A_57 : memref<40x128xi32, #tpu.memory_space<hbm>>) dst(%arg7 : memref<40x128xi32, #tpu.memory_space<vmem>>)
        tpu.yield
      }) : () -> ()
      %mul3A_32 = arith.constant 40 : i32
      %mul3A_33 = arith.muli %while3A_27, %mul3A_32 : i32
      %add3A_34 = arith.addi %select_n3A, %mul3A_33 : i32
      "tpu.region"() ({
        %run_scoped3A = tpu.sem_alloc : memref<!tpu.dma_semaphore, #tpu.memory_space<semaphore_mem>>
        %dma_start3A_51 = arith.constant 0 : i32
        %dma_start3A_52 = tpu.memref_slice %arg4[%add3A_34, %dma_start3A_51] : memref<2560x128xi32, #tpu.memory_space<hbm>> -> memref<40x128xi32, #tpu.memory_space<hbm>>
        %dma_start3A_53 = arith.constant 0 : i32
        %dma_start3A_54 = tpu.memref_slice %arg4[%add3A_34, %dma_start3A_53] : memref<2560x128xi32, #tpu.memory_space<hbm>> -> memref<40x128xi32, #tpu.memory_space<hbm>>
        tpu.enqueue_dma source(%dma_start3A_54 : memref<40x128xi32, #tpu.memory_space<hbm>>) target(%arg8 : memref<40x128xi32, #tpu.memory_space<vmem>>) target_semaphore(%run_scoped3A : memref<!tpu.dma_semaphore, #tpu.memory_space<semaphore_mem>>)
        %dma_wait3A = arith.constant 0 : i32
        %dma_wait3A_55 = tpu.memref_slice %arg4[%add3A_34, %dma_wait3A] : memref<2560x128xi32, #tpu.memory_space<hbm>> -> memref<40x128xi32, #tpu.memory_space<hbm>>
        %dma_wait3A_56 = arith.constant 0 : i32
        %dma_wait3A_57 = tpu.memref_slice %arg4[%add3A_34, %dma_wait3A_56] : memref<2560x128xi32, #tpu.memory_space<hbm>> -> memref<40x128xi32, #tpu.memory_space<hbm>>
        tpu.wait_dma2 semaphore(%run_scoped3A : memref<!tpu.dma_semaphore, #tpu.memory_space<semaphore_mem>>) src(%dma_wait3A_57 : memref<40x128xi32, #tpu.memory_space<hbm>>) dst(%arg8 : memref<40x128xi32, #tpu.memory_space<vmem>>)
        tpu.yield
      }) : () -> ()
      %dma_start3A = arith.constant 0 : i32
      %dma_start3A_35 = arith.constant 0 : i32
      %dma_start3A_36 = arith.constant 0 : i32
      %dma_start3A_37 = tpu.memref_slice %arg9[%dma_start3A_35, %dma_start3A_36] : memref<128x128xf32, #tpu.memory_space<vmem>> -> memref<128x128xf32, #tpu.memory_space<vmem>>
      %dma_start3A_38 = arith.constant 0 : i32
      %dma_start3A_39 = tpu.memref_slice %arg7[%dma_start3A, %dma_start3A_38] : memref<40x128xi32, #tpu.memory_space<vmem>> -> memref<1x128xi32, #tpu.memory_space<vmem>>
      %dma_start3A_40 = tpu.memref_squeeze %dma_start3A_39 : memref<1x128xi32, #tpu.memory_space<vmem>> -> memref<128xi32, #tpu.memory_space<vmem>>
      %dma_start3A_41 = arith.constant 0 : i32
      %dma_start3A_42 = arith.constant 0 : i32
      %dma_start3A_43 = tpu.memref_slice %arg2[%dma_start3A_41, %dma_start3A_42] : memref<10240x128xf32, #tpu.memory_space<hbm>> -> memref<10240x128xf32, #tpu.memory_space<hbm>>
      tpu.enqueue_indirect_dma source(%dma_start3A_43 : memref<10240x128xf32, #tpu.memory_space<hbm>>) target(%dma_start3A_37 : memref<128x128xf32, #tpu.memory_space<vmem>>) offsets(%dma_start3A_40 : memref<128xi32, #tpu.memory_space<vmem>>) semaphore(%arg12 : memref<!tpu.dma_semaphore, #tpu.memory_space<semaphore_mem>>)
      %scan3A = arith.constant 0 : i32
      %scan3A_44 = arith.constant 0 : i32
      %scan3A_45 = arith.constant 20 : i32
      %scan3A_46 = arith.addi %scan3A_44, %scan3A_45 : i32
      %scan3A_47 = arith.constant 1 : i32
      %scan3A_48 = scf.for %scan3A_51 = %scan3A_44 to %scan3A_46 step %scan3A_47 iter_args(%scan3A_52 = %scan3A) -> (i32)  : i32 {
        %mul3A_53 = arith.constant 2 : i32
        %mul3A_54 = arith.muli %mul3A_53, %scan3A_51 : i32
        %add3A_55 = arith.constant 1 : i32
        %add3A_56 = arith.addi %mul3A_54, %add3A_55 : i32
        %dma_start3A_57 = arith.constant 0 : i32
        %dma_start3A_58 = arith.constant 0 : i32
        %dma_start3A_59 = tpu.memref_slice %arg10[%dma_start3A_57, %dma_start3A_58] : memref<128x128xf32, #tpu.memory_space<vmem>> -> memref<128x128xf32, #tpu.memory_space<vmem>>
        %dma_start3A_60 = arith.constant 0 : i32
        %dma_start3A_61 = tpu.memref_slice %arg7[%add3A_56, %dma_start3A_60] : memref<40x128xi32, #tpu.memory_space<vmem>> -> memref<1x128xi32, #tpu.memory_space<vmem>>
        %dma_start3A_62 = tpu.memref_squeeze %dma_start3A_61 : memref<1x128xi32, #tpu.memory_space<vmem>> -> memref<128xi32, #tpu.memory_space<vmem>>
        %dma_start3A_63 = arith.constant 0 : i32
        %dma_start3A_64 = arith.constant 0 : i32
        %dma_start3A_65 = tpu.memref_slice %arg2[%dma_start3A_63, %dma_start3A_64] : memref<10240x128xf32, #tpu.memory_space<hbm>> -> memref<10240x128xf32, #tpu.memory_space<hbm>>
        tpu.enqueue_indirect_dma source(%dma_start3A_65 : memref<10240x128xf32, #tpu.memory_space<hbm>>) target(%dma_start3A_59 : memref<128x128xf32, #tpu.memory_space<vmem>>) offsets(%dma_start3A_62 : memref<128xi32, #tpu.memory_space<vmem>>) semaphore(%arg13 : memref<!tpu.dma_semaphore, #tpu.memory_space<semaphore_mem>>)
        %dma_wait3A = arith.constant 0 : i32
        %dma_wait3A_66 = arith.constant 0 : i32
        %dma_wait3A_67 = tpu.memref_slice %arg9[%dma_wait3A, %dma_wait3A_66] : memref<128x128xf32, #tpu.memory_space<vmem>> -> memref<128x128xf32, #tpu.memory_space<vmem>>
        %dma_wait3A_68 = arith.constant 0 : i32
        %dma_wait3A_69 = tpu.memref_slice %arg7[%mul3A_54, %dma_wait3A_68] : memref<40x128xi32, #tpu.memory_space<vmem>> -> memref<1x128xi32, #tpu.memory_space<vmem>>
        %dma_wait3A_70 = tpu.memref_squeeze %dma_wait3A_69 : memref<1x128xi32, #tpu.memory_space<vmem>> -> memref<128xi32, #tpu.memory_space<vmem>>
        %dma_wait3A_71 = arith.constant 0 : i32
        %dma_wait3A_72 = arith.constant 0 : i32
        %dma_wait3A_73 = tpu.memref_slice %arg2[%dma_wait3A_71, %dma_wait3A_72] : memref<10240x128xf32, #tpu.memory_space<hbm>> -> memref<10240x128xf32, #tpu.memory_space<hbm>>
        tpu.wait_indirect_dma semaphore(%arg12 : memref<!tpu.dma_semaphore, #tpu.memory_space<semaphore_mem>>) src(%dma_wait3A_73 : memref<10240x128xf32, #tpu.memory_space<hbm>>) dst(%dma_wait3A_67 : memref<128x128xf32, #tpu.memory_space<vmem>>)
        %dma_start3A_74 = arith.constant 0 : i32
        %dma_start3A_75 = tpu.memref_slice %arg8[%mul3A_54, %dma_start3A_74] : memref<40x128xi32, #tpu.memory_space<vmem>> -> memref<1x128xi32, #tpu.memory_space<vmem>>
        %dma_start3A_76 = tpu.memref_squeeze %dma_start3A_75 : memref<1x128xi32, #tpu.memory_space<vmem>> -> memref<128xi32, #tpu.memory_space<vmem>>
        %dma_start3A_77 = arith.constant 0 : i32
        %dma_start3A_78 = arith.constant 0 : i32
        %dma_start3A_79 = tpu.memref_slice %arg11[%dma_start3A_77, %dma_start3A_78] : memref<10240x128xf32, #tpu.memory_space<vmem_shared>> -> memref<10240x128xf32, #tpu.memory_space<vmem_shared>>
        tpu.enqueue_indirect_dma source(%arg9 : memref<128x128xf32, #tpu.memory_space<vmem>>) target(%dma_start3A_79 : memref<10240x128xf32, #tpu.memory_space<vmem_shared>>) offsets(%dma_start3A_76 : memref<128xi32, #tpu.memory_space<vmem>>) semaphore(%arg14 : memref<!tpu.dma_semaphore, #tpu.memory_space<semaphore_mem>>) {add = true}
        %add3A_80 = arith.constant 1 : i32
        %add3A_81 = arith.addi %mul3A_54, %add3A_80 : i32
        %dma_wait3A_82 = arith.constant 0 : i32
        %dma_wait3A_83 = arith.constant 0 : i32
        %dma_wait3A_84 = tpu.memref_slice %arg10[%dma_wait3A_82, %dma_wait3A_83] : memref<128x128xf32, #tpu.memory_space<vmem>> -> memref<128x128xf32, #tpu.memory_space<vmem>>
        %dma_wait3A_85 = arith.constant 0 : i32
        %dma_wait3A_86 = tpu.memref_slice %arg7[%add3A_81, %dma_wait3A_85] : memref<40x128xi32, #tpu.memory_space<vmem>> -> memref<1x128xi32, #tpu.memory_space<vmem>>
        %dma_wait3A_87 = tpu.memref_squeeze %dma_wait3A_86 : memref<1x128xi32, #tpu.memory_space<vmem>> -> memref<128xi32, #tpu.memory_space<vmem>>
        %dma_wait3A_88 = arith.constant 0 : i32
        %dma_wait3A_89 = arith.constant 0 : i32
        %dma_wait3A_90 = tpu.memref_slice %arg2[%dma_wait3A_88, %dma_wait3A_89] : memref<10240x128xf32, #tpu.memory_space<hbm>> -> memref<10240x128xf32, #tpu.memory_space<hbm>>
        tpu.wait_indirect_dma semaphore(%arg13 : memref<!tpu.dma_semaphore, #tpu.memory_space<semaphore_mem>>) src(%dma_wait3A_90 : memref<10240x128xf32, #tpu.memory_space<hbm>>) dst(%dma_wait3A_84 : memref<128x128xf32, #tpu.memory_space<vmem>>)
        %add3A_91 = arith.constant 1 : i32
        %add3A_92 = arith.addi %mul3A_54, %add3A_91 : i32
        %dma_start3A_93 = arith.constant 0 : i32
        %dma_start3A_94 = tpu.memref_slice %arg8[%add3A_92, %dma_start3A_93] : memref<40x128xi32, #tpu.memory_space<vmem>> -> memref<1x128xi32, #tpu.memory_space<vmem>>
        %dma_start3A_95 = tpu.memref_squeeze %dma_start3A_94 : memref<1x128xi32, #tpu.memory_space<vmem>> -> memref<128xi32, #tpu.memory_space<vmem>>
        %dma_start3A_96 = arith.constant 0 : i32
        %dma_start3A_97 = arith.constant 0 : i32
        %dma_start3A_98 = tpu.memref_slice %arg11[%dma_start3A_96, %dma_start3A_97] : memref<10240x128xf32, #tpu.memory_space<vmem_shared>> -> memref<10240x128xf32, #tpu.memory_space<vmem_shared>>
        tpu.enqueue_indirect_dma source(%arg10 : memref<128x128xf32, #tpu.memory_space<vmem>>) target(%dma_start3A_98 : memref<10240x128xf32, #tpu.memory_space<vmem_shared>>) offsets(%dma_start3A_95 : memref<128xi32, #tpu.memory_space<vmem>>) semaphore(%arg15 : memref<!tpu.dma_semaphore, #tpu.memory_space<semaphore_mem>>) {add = true}
        %dma_wait3A_99 = arith.constant 0 : i32
        %dma_wait3A_100 = tpu.memref_slice %arg8[%mul3A_54, %dma_wait3A_99] : memref<40x128xi32, #tpu.memory_space<vmem>> -> memref<1x128xi32, #tpu.memory_space<vmem>>
        %dma_wait3A_101 = tpu.memref_squeeze %dma_wait3A_100 : memref<1x128xi32, #tpu.memory_space<vmem>> -> memref<128xi32, #tpu.memory_space<vmem>>
        %dma_wait3A_102 = arith.constant 0 : i32
        %dma_wait3A_103 = arith.constant 0 : i32
        %dma_wait3A_104 = tpu.memref_slice %arg11[%dma_wait3A_102, %dma_wait3A_103] : memref<10240x128xf32, #tpu.memory_space<vmem_shared>> -> memref<10240x128xf32, #tpu.memory_space<vmem_shared>>
        tpu.wait_indirect_dma semaphore(%arg14 : memref<!tpu.dma_semaphore, #tpu.memory_space<semaphore_mem>>) src(%arg9 : memref<128x128xf32, #tpu.memory_space<vmem>>) dst(%dma_wait3A_104 : memref<10240x128xf32, #tpu.memory_space<vmem_shared>>)
        %add3A_105 = arith.constant 2 : i32
        %add3A_106 = arith.addi %mul3A_54, %add3A_105 : i32
        %lt3A = arith.constant 40 : i32
        %lt3A_107 = arith.cmpi slt, %add3A_106, %lt3A : i32
        %convert_element_type3A = arith.extui %lt3A_107 : i1 to i32
        %cond3A = arith.constant 0 : i32
        %cond3A_108 = arith.cmpi ne, %convert_element_type3A, %cond3A : i32
        scf.if %cond3A_108 {
          %add3A_118 = arith.constant 2 : i32
          %add3A_119 = arith.addi %mul3A_54, %add3A_118 : i32
          %dma_start3A_120 = arith.constant 0 : i32
          %dma_start3A_121 = arith.constant 0 : i32
          %dma_start3A_122 = tpu.memref_slice %arg9[%dma_start3A_120, %dma_start3A_121] : memref<128x128xf32, #tpu.memory_space<vmem>> -> memref<128x128xf32, #tpu.memory_space<vmem>>
          %dma_start3A_123 = arith.constant 0 : i32
          %dma_start3A_124 = tpu.memref_slice %arg7[%add3A_119, %dma_start3A_123] : memref<40x128xi32, #tpu.memory_space<vmem>> -> memref<1x128xi32, #tpu.memory_space<vmem>>
          %dma_start3A_125 = tpu.memref_squeeze %dma_start3A_124 : memref<1x128xi32, #tpu.memory_space<vmem>> -> memref<128xi32, #tpu.memory_space<vmem>>
          %dma_start3A_126 = arith.constant 0 : i32
          %dma_start3A_127 = arith.constant 0 : i32
          %dma_start3A_128 = tpu.memref_slice %arg2[%dma_start3A_126, %dma_start3A_127] : memref<10240x128xf32, #tpu.memory_space<hbm>> -> memref<10240x128xf32, #tpu.memory_space<hbm>>
          tpu.enqueue_indirect_dma source(%dma_start3A_128 : memref<10240x128xf32, #tpu.memory_space<hbm>>) target(%dma_start3A_122 : memref<128x128xf32, #tpu.memory_space<vmem>>) offsets(%dma_start3A_125 : memref<128xi32, #tpu.memory_space<vmem>>) semaphore(%arg12 : memref<!tpu.dma_semaphore, #tpu.memory_space<semaphore_mem>>)
        } else {
        }
        %add3A_109 = arith.constant 1 : i32
        %add3A_110 = arith.addi %mul3A_54, %add3A_109 : i32
        %dma_wait3A_111 = arith.constant 0 : i32
        %dma_wait3A_112 = tpu.memref_slice %arg8[%add3A_110, %dma_wait3A_111] : memref<40x128xi32, #tpu.memory_space<vmem>> -> memref<1x128xi32, #tpu.memory_space<vmem>>
        %dma_wait3A_113 = tpu.memref_squeeze %dma_wait3A_112 : memref<1x128xi32, #tpu.memory_space<vmem>> -> memref<128xi32, #tpu.memory_space<vmem>>
        %dma_wait3A_114 = arith.constant 0 : i32
        %dma_wait3A_115 = arith.constant 0 : i32
        %dma_wait3A_116 = tpu.memref_slice %arg11[%dma_wait3A_114, %dma_wait3A_115] : memref<10240x128xf32, #tpu.memory_space<vmem_shared>> -> memref<10240x128xf32, #tpu.memory_space<vmem_shared>>
        tpu.wait_indirect_dma semaphore(%arg15 : memref<!tpu.dma_semaphore, #tpu.memory_space<semaphore_mem>>) src(%arg10 : memref<128x128xf32, #tpu.memory_space<vmem>>) dst(%dma_wait3A_116 : memref<10240x128xf32, #tpu.memory_space<vmem_shared>>)
        %scan3A_117 = arith.constant 0 : i32
        scf.yield %scan3A_117 : i32
      }
      %scan3A_49 = arith.constant 20 : i32
      %while3A_50 = arith.constant 0 : i32
      scf.yield %while3A_50 : i32
    }
    %while3A_20 = arith.constant 1 : i32
    %while3A_21 = scf.for %while3A_27 = %while3A_17 to %while3A_13 step %while3A_20 iter_args(%while3A_28 = %while3A_19) -> (i32)  : i32 {
      %mul3A_29 = arith.constant 40 : i32
      %mul3A_30 = arith.muli %while3A_27, %mul3A_29 : i32
      %add3A_31 = arith.addi %select_n3A, %mul3A_30 : i32
      "tpu.region"() ({
        %run_scoped3A = tpu.sem_alloc : memref<!tpu.dma_semaphore, #tpu.memory_space<semaphore_mem>>
        %dma_start3A_51 = arith.constant 0 : i32
        %dma_start3A_52 = tpu.memref_slice %arg3[%add3A_31, %dma_start3A_51] : memref<2560x128xi32, #tpu.memory_space<hbm>> -> memref<40x128xi32, #tpu.memory_space<hbm>>
        %dma_start3A_53 = arith.constant 0 : i32
        %dma_start3A_54 = tpu.memref_slice %arg3[%add3A_31, %dma_start3A_53] : memref<2560x128xi32, #tpu.memory_space<hbm>> -> memref<40x128xi32, #tpu.memory_space<hbm>>
        tpu.enqueue_dma source(%dma_start3A_54 : memref<40x128xi32, #tpu.memory_space<hbm>>) target(%arg7 : memref<40x128xi32, #tpu.memory_space<vmem>>) target_semaphore(%run_scoped3A : memref<!tpu.dma_semaphore, #tpu.memory_space<semaphore_mem>>)
        %dma_wait3A = arith.constant 0 : i32
        %dma_wait3A_55 = tpu.memref_slice %arg3[%add3A_31, %dma_wait3A] : memref<2560x128xi32, #tpu.memory_space<hbm>> -> memref<40x128xi32, #tpu.memory_space<hbm>>
        %dma_wait3A_56 = arith.constant 0 : i32
        %dma_wait3A_57 = tpu.memref_slice %arg3[%add3A_31, %dma_wait3A_56] : memref<2560x128xi32, #tpu.memory_space<hbm>> -> memref<40x128xi32, #tpu.memory_space<hbm>>
        tpu.wait_dma2 semaphore(%run_scoped3A : memref<!tpu.dma_semaphore, #tpu.memory_space<semaphore_mem>>) src(%dma_wait3A_57 : memref<40x128xi32, #tpu.memory_space<hbm>>) dst(%arg7 : memref<40x128xi32, #tpu.memory_space<vmem>>)
        tpu.yield
      }) : () -> ()
      %mul3A_32 = arith.constant 40 : i32
      %mul3A_33 = arith.muli %while3A_27, %mul3A_32 : i32
      %add3A_34 = arith.addi %select_n3A, %mul3A_33 : i32
      "tpu.region"() ({
        %run_scoped3A = tpu.sem_alloc : memref<!tpu.dma_semaphore, #tpu.memory_space<semaphore_mem>>
        %dma_start3A_51 = arith.constant 0 : i32
        %dma_start3A_52 = tpu.memref_slice %arg4[%add3A_34, %dma_start3A_51] : memref<2560x128xi32, #tpu.memory_space<hbm>> -> memref<40x128xi32, #tpu.memory_space<hbm>>
        %dma_start3A_53 = arith.constant 0 : i32
        %dma_start3A_54 = tpu.memref_slice %arg4[%add3A_34, %dma_start3A_53] : memref<2560x128xi32, #tpu.memory_space<hbm>> -> memref<40x128xi32, #tpu.memory_space<hbm>>
        tpu.enqueue_dma source(%dma_start3A_54 : memref<40x128xi32, #tpu.memory_space<hbm>>) target(%arg8 : memref<40x128xi32, #tpu.memory_space<vmem>>) target_semaphore(%run_scoped3A : memref<!tpu.dma_semaphore, #tpu.memory_space<semaphore_mem>>)
        %dma_wait3A = arith.constant 0 : i32
        %dma_wait3A_55 = tpu.memref_slice %arg4[%add3A_34, %dma_wait3A] : memref<2560x128xi32, #tpu.memory_space<hbm>> -> memref<40x128xi32, #tpu.memory_space<hbm>>
        %dma_wait3A_56 = arith.constant 0 : i32
        %dma_wait3A_57 = tpu.memref_slice %arg4[%add3A_34, %dma_wait3A_56] : memref<2560x128xi32, #tpu.memory_space<hbm>> -> memref<40x128xi32, #tpu.memory_space<hbm>>
        tpu.wait_dma2 semaphore(%run_scoped3A : memref<!tpu.dma_semaphore, #tpu.memory_space<semaphore_mem>>) src(%dma_wait3A_57 : memref<40x128xi32, #tpu.memory_space<hbm>>) dst(%arg8 : memref<40x128xi32, #tpu.memory_space<vmem>>)
        tpu.yield
      }) : () -> ()
      %dma_start3A = arith.constant 0 : i32
      %dma_start3A_35 = arith.constant 0 : i32
      %dma_start3A_36 = arith.constant 0 : i32
      %dma_start3A_37 = tpu.memref_slice %arg9[%dma_start3A_35, %dma_start3A_36] : memref<128x128xf32, #tpu.memory_space<vmem>> -> memref<128x128xf32, #tpu.memory_space<vmem>>
      %dma_start3A_38 = arith.constant 0 : i32
      %dma_start3A_39 = tpu.memref_slice %arg7[%dma_start3A, %dma_start3A_38] : memref<40x128xi32, #tpu.memory_space<vmem>> -> memref<1x128xi32, #tpu.memory_space<vmem>>
      %dma_start3A_40 = tpu.memref_squeeze %dma_start3A_39 : memref<1x128xi32, #tpu.memory_space<vmem>> -> memref<128xi32, #tpu.memory_space<vmem>>
      %dma_start3A_41 = arith.constant 0 : i32
      %dma_start3A_42 = arith.constant 0 : i32
      %dma_start3A_43 = tpu.memref_slice %arg2[%dma_start3A_41, %dma_start3A_42] : memref<10240x128xf32, #tpu.memory_space<hbm>> -> memref<10240x128xf32, #tpu.memory_space<hbm>>
      tpu.enqueue_indirect_dma source(%dma_start3A_43 : memref<10240x128xf32, #tpu.memory_space<hbm>>) target(%dma_start3A_37 : memref<128x128xf32, #tpu.memory_space<vmem>>) offsets(%dma_start3A_40 : memref<128xi32, #tpu.memory_space<vmem>>) semaphore(%arg12 : memref<!tpu.dma_semaphore, #tpu.memory_space<semaphore_mem>>)
      %scan3A = arith.constant 0 : i32
      %scan3A_44 = arith.constant 0 : i32
      %scan3A_45 = arith.constant 20 : i32
      %scan3A_46 = arith.addi %scan3A_44, %scan3A_45 : i32
      %scan3A_47 = arith.constant 1 : i32
      %scan3A_48 = scf.for %scan3A_51 = %scan3A_44 to %scan3A_46 step %scan3A_47 iter_args(%scan3A_52 = %scan3A) -> (i32)  : i32 {
        %mul3A_53 = arith.constant 2 : i32
        %mul3A_54 = arith.muli %mul3A_53, %scan3A_51 : i32
        %add3A_55 = arith.constant 1 : i32
        %add3A_56 = arith.addi %mul3A_54, %add3A_55 : i32
        %dma_start3A_57 = arith.constant 0 : i32
        %dma_start3A_58 = arith.constant 0 : i32
        %dma_start3A_59 = tpu.memref_slice %arg10[%dma_start3A_57, %dma_start3A_58] : memref<128x128xf32, #tpu.memory_space<vmem>> -> memref<128x128xf32, #tpu.memory_space<vmem>>
        %dma_start3A_60 = arith.constant 0 : i32
        %dma_start3A_61 = tpu.memref_slice %arg7[%add3A_56, %dma_start3A_60] : memref<40x128xi32, #tpu.memory_space<vmem>> -> memref<1x128xi32, #tpu.memory_space<vmem>>
        %dma_start3A_62 = tpu.memref_squeeze %dma_start3A_61 : memref<1x128xi32, #tpu.memory_space<vmem>> -> memref<128xi32, #tpu.memory_space<vmem>>
        %dma_start3A_63 = arith.constant 0 : i32
        %dma_start3A_64 = arith.constant 0 : i32
        %dma_start3A_65 = tpu.memref_slice %arg2[%dma_start3A_63, %dma_start3A_64] : memref<10240x128xf32, #tpu.memory_space<hbm>> -> memref<10240x128xf32, #tpu.memory_space<hbm>>
        tpu.enqueue_indirect_dma source(%dma_start3A_65 : memref<10240x128xf32, #tpu.memory_space<hbm>>) target(%dma_start3A_59 : memref<128x128xf32, #tpu.memory_space<vmem>>) offsets(%dma_start3A_62 : memref<128xi32, #tpu.memory_space<vmem>>) semaphore(%arg13 : memref<!tpu.dma_semaphore, #tpu.memory_space<semaphore_mem>>)
        %dma_wait3A = arith.constant 0 : i32
        %dma_wait3A_66 = arith.constant 0 : i32
        %dma_wait3A_67 = tpu.memref_slice %arg9[%dma_wait3A, %dma_wait3A_66] : memref<128x128xf32, #tpu.memory_space<vmem>> -> memref<128x128xf32, #tpu.memory_space<vmem>>
        %dma_wait3A_68 = arith.constant 0 : i32
        %dma_wait3A_69 = tpu.memref_slice %arg7[%mul3A_54, %dma_wait3A_68] : memref<40x128xi32, #tpu.memory_space<vmem>> -> memref<1x128xi32, #tpu.memory_space<vmem>>
        %dma_wait3A_70 = tpu.memref_squeeze %dma_wait3A_69 : memref<1x128xi32, #tpu.memory_space<vmem>> -> memref<128xi32, #tpu.memory_space<vmem>>
        %dma_wait3A_71 = arith.constant 0 : i32
        %dma_wait3A_72 = arith.constant 0 : i32
        %dma_wait3A_73 = tpu.memref_slice %arg2[%dma_wait3A_71, %dma_wait3A_72] : memref<10240x128xf32, #tpu.memory_space<hbm>> -> memref<10240x128xf32, #tpu.memory_space<hbm>>
        tpu.wait_indirect_dma semaphore(%arg12 : memref<!tpu.dma_semaphore, #tpu.memory_space<semaphore_mem>>) src(%dma_wait3A_73 : memref<10240x128xf32, #tpu.memory_space<hbm>>) dst(%dma_wait3A_67 : memref<128x128xf32, #tpu.memory_space<vmem>>)
        %dma_start3A_74 = arith.constant 0 : i32
        %dma_start3A_75 = tpu.memref_slice %arg8[%mul3A_54, %dma_start3A_74] : memref<40x128xi32, #tpu.memory_space<vmem>> -> memref<1x128xi32, #tpu.memory_space<vmem>>
        %dma_start3A_76 = tpu.memref_squeeze %dma_start3A_75 : memref<1x128xi32, #tpu.memory_space<vmem>> -> memref<128xi32, #tpu.memory_space<vmem>>
        %dma_start3A_77 = arith.constant 0 : i32
        %dma_start3A_78 = arith.constant 0 : i32
        %dma_start3A_79 = tpu.memref_slice %arg11[%dma_start3A_77, %dma_start3A_78] : memref<10240x128xf32, #tpu.memory_space<vmem_shared>> -> memref<10240x128xf32, #tpu.memory_space<vmem_shared>>
        tpu.enqueue_indirect_dma source(%arg9 : memref<128x128xf32, #tpu.memory_space<vmem>>) target(%dma_start3A_79 : memref<10240x128xf32, #tpu.memory_space<vmem_shared>>) offsets(%dma_start3A_76 : memref<128xi32, #tpu.memory_space<vmem>>) semaphore(%arg14 : memref<!tpu.dma_semaphore, #tpu.memory_space<semaphore_mem>>) {add = true}
        %add3A_80 = arith.constant 1 : i32
        %add3A_81 = arith.addi %mul3A_54, %add3A_80 : i32
        %dma_wait3A_82 = arith.constant 0 : i32
        %dma_wait3A_83 = arith.constant 0 : i32
        %dma_wait3A_84 = tpu.memref_slice %arg10[%dma_wait3A_82, %dma_wait3A_83] : memref<128x128xf32, #tpu.memory_space<vmem>> -> memref<128x128xf32, #tpu.memory_space<vmem>>
        %dma_wait3A_85 = arith.constant 0 : i32
        %dma_wait3A_86 = tpu.memref_slice %arg7[%add3A_81, %dma_wait3A_85] : memref<40x128xi32, #tpu.memory_space<vmem>> -> memref<1x128xi32, #tpu.memory_space<vmem>>
        %dma_wait3A_87 = tpu.memref_squeeze %dma_wait3A_86 : memref<1x128xi32, #tpu.memory_space<vmem>> -> memref<128xi32, #tpu.memory_space<vmem>>
        %dma_wait3A_88 = arith.constant 0 : i32
        %dma_wait3A_89 = arith.constant 0 : i32
        %dma_wait3A_90 = tpu.memref_slice %arg2[%dma_wait3A_88, %dma_wait3A_89] : memref<10240x128xf32, #tpu.memory_space<hbm>> -> memref<10240x128xf32, #tpu.memory_space<hbm>>
        tpu.wait_indirect_dma semaphore(%arg13 : memref<!tpu.dma_semaphore, #tpu.memory_space<semaphore_mem>>) src(%dma_wait3A_90 : memref<10240x128xf32, #tpu.memory_space<hbm>>) dst(%dma_wait3A_84 : memref<128x128xf32, #tpu.memory_space<vmem>>)
        %add3A_91 = arith.constant 1 : i32
        %add3A_92 = arith.addi %mul3A_54, %add3A_91 : i32
        %dma_start3A_93 = arith.constant 0 : i32
        %dma_start3A_94 = tpu.memref_slice %arg8[%add3A_92, %dma_start3A_93] : memref<40x128xi32, #tpu.memory_space<vmem>> -> memref<1x128xi32, #tpu.memory_space<vmem>>
        %dma_start3A_95 = tpu.memref_squeeze %dma_start3A_94 : memref<1x128xi32, #tpu.memory_space<vmem>> -> memref<128xi32, #tpu.memory_space<vmem>>
        %dma_start3A_96 = arith.constant 0 : i32
        %dma_start3A_97 = arith.constant 0 : i32
        %dma_start3A_98 = tpu.memref_slice %arg11[%dma_start3A_96, %dma_start3A_97] : memref<10240x128xf32, #tpu.memory_space<vmem_shared>> -> memref<10240x128xf32, #tpu.memory_space<vmem_shared>>
        tpu.enqueue_indirect_dma source(%arg10 : memref<128x128xf32, #tpu.memory_space<vmem>>) target(%dma_start3A_98 : memref<10240x128xf32, #tpu.memory_space<vmem_shared>>) offsets(%dma_start3A_95 : memref<128xi32, #tpu.memory_space<vmem>>) semaphore(%arg15 : memref<!tpu.dma_semaphore, #tpu.memory_space<semaphore_mem>>) {add = true}
        %dma_wait3A_99 = arith.constant 0 : i32
        %dma_wait3A_100 = tpu.memref_slice %arg8[%mul3A_54, %dma_wait3A_99] : memref<40x128xi32, #tpu.memory_space<vmem>> -> memref<1x128xi32, #tpu.memory_space<vmem>>
        %dma_wait3A_101 = tpu.memref_squeeze %dma_wait3A_100 : memref<1x128xi32, #tpu.memory_space<vmem>> -> memref<128xi32, #tpu.memory_space<vmem>>
        %dma_wait3A_102 = arith.constant 0 : i32
        %dma_wait3A_103 = arith.constant 0 : i32
        %dma_wait3A_104 = tpu.memref_slice %arg11[%dma_wait3A_102, %dma_wait3A_103] : memref<10240x128xf32, #tpu.memory_space<vmem_shared>> -> memref<10240x128xf32, #tpu.memory_space<vmem_shared>>
        tpu.wait_indirect_dma semaphore(%arg14 : memref<!tpu.dma_semaphore, #tpu.memory_space<semaphore_mem>>) src(%arg9 : memref<128x128xf32, #tpu.memory_space<vmem>>) dst(%dma_wait3A_104 : memref<10240x128xf32, #tpu.memory_space<vmem_shared>>)
        %add3A_105 = arith.constant 2 : i32
        %add3A_106 = arith.addi %mul3A_54, %add3A_105 : i32
        %lt3A = arith.constant 40 : i32
        %lt3A_107 = arith.cmpi slt, %add3A_106, %lt3A : i32
        %convert_element_type3A = arith.extui %lt3A_107 : i1 to i32
        %cond3A = arith.constant 0 : i32
        %cond3A_108 = arith.cmpi ne, %convert_element_type3A, %cond3A : i32
        scf.if %cond3A_108 {
          %add3A_118 = arith.constant 2 : i32
          %add3A_119 = arith.addi %mul3A_54, %add3A_118 : i32
          %dma_start3A_120 = arith.constant 0 : i32
          %dma_start3A_121 = arith.constant 0 : i32
          %dma_start3A_122 = tpu.memref_slice %arg9[%dma_start3A_120, %dma_start3A_121] : memref<128x128xf32, #tpu.memory_space<vmem>> -> memref<128x128xf32, #tpu.memory_space<vmem>>
          %dma_start3A_123 = arith.constant 0 : i32
          %dma_start3A_124 = tpu.memref_slice %arg7[%add3A_119, %dma_start3A_123] : memref<40x128xi32, #tpu.memory_space<vmem>> -> memref<1x128xi32, #tpu.memory_space<vmem>>
          %dma_start3A_125 = tpu.memref_squeeze %dma_start3A_124 : memref<1x128xi32, #tpu.memory_space<vmem>> -> memref<128xi32, #tpu.memory_space<vmem>>
          %dma_start3A_126 = arith.constant 0 : i32
          %dma_start3A_127 = arith.constant 0 : i32
          %dma_start3A_128 = tpu.memref_slice %arg2[%dma_start3A_126, %dma_start3A_127] : memref<10240x128xf32, #tpu.memory_space<hbm>> -> memref<10240x128xf32, #tpu.memory_space<hbm>>
          tpu.enqueue_indirect_dma source(%dma_start3A_128 : memref<10240x128xf32, #tpu.memory_space<hbm>>) target(%dma_start3A_122 : memref<128x128xf32, #tpu.memory_space<vmem>>) offsets(%dma_start3A_125 : memref<128xi32, #tpu.memory_space<vmem>>) semaphore(%arg12 : memref<!tpu.dma_semaphore, #tpu.memory_space<semaphore_mem>>)
        } else {
        }
        %add3A_109 = arith.constant 1 : i32
        %add3A_110 = arith.addi %mul3A_54, %add3A_109 : i32
        %dma_wait3A_111 = arith.constant 0 : i32
        %dma_wait3A_112 = tpu.memref_slice %arg8[%add3A_110, %dma_wait3A_111] : memref<40x128xi32, #tpu.memory_space<vmem>> -> memref<1x128xi32, #tpu.memory_space<vmem>>
        %dma_wait3A_113 = tpu.memref_squeeze %dma_wait3A_112 : memref<1x128xi32, #tpu.memory_space<vmem>> -> memref<128xi32, #tpu.memory_space<vmem>>
        %dma_wait3A_114 = arith.constant 0 : i32
        %dma_wait3A_115 = arith.constant 0 : i32
        %dma_wait3A_116 = tpu.memref_slice %arg11[%dma_wait3A_114, %dma_wait3A_115] : memref<10240x128xf32, #tpu.memory_space<vmem_shared>> -> memref<10240x128xf32, #tpu.memory_space<vmem_shared>>
        tpu.wait_indirect_dma semaphore(%arg15 : memref<!tpu.dma_semaphore, #tpu.memory_space<semaphore_mem>>) src(%arg10 : memref<128x128xf32, #tpu.memory_space<vmem>>) dst(%dma_wait3A_116 : memref<10240x128xf32, #tpu.memory_space<vmem_shared>>)
        %scan3A_117 = arith.constant 0 : i32
        scf.yield %scan3A_117 : i32
      }
      %scan3A_49 = arith.constant 20 : i32
      %while3A_50 = arith.constant 0 : i32
      scf.yield %while3A_50 : i32
    }
    %barrier3A_22 = arith.constant 0 : index
    tpu.barrier barrier_id(%barrier3A_22)
    %mul3A_23 = arith.constant 640 : i32
    %mul3A_24 = arith.muli %arg1, %mul3A_23 : i32
    %mul3A_25 = arith.constant 640 : i32
    %mul3A_26 = arith.muli %arg1, %mul3A_25 : i32
    "tpu.region"() ({
      %run_scoped3A = tpu.sem_alloc : memref<!tpu.dma_semaphore, #tpu.memory_space<semaphore_mem>>
      %dma_start3A = arith.constant 0 : i32
      %dma_start3A_27 = tpu.memref_slice %arg6[%arg0, %mul3A_26, %dma_start3A] : memref<2x10240x128xf32, #tpu.memory_space<hbm>> -> memref<1x640x128xf32, #tpu.memory_space<hbm>>
      %dma_start3A_28 = tpu.memref_squeeze %dma_start3A_27 : memref<1x640x128xf32, #tpu.memory_space<hbm>> -> memref<640x128xf32, #tpu.memory_space<hbm>>
      %dma_start3A_29 = arith.constant 0 : i32
      %dma_start3A_30 = tpu.memref_slice %arg11[%mul3A_24, %dma_start3A_29] : memref<10240x128xf32, #tpu.memory_space<vmem_shared>> -> memref<640x128xf32, #tpu.memory_space<vmem_shared>>
      tpu.enqueue_dma source(%dma_start3A_30 : memref<640x128xf32, #tpu.memory_space<vmem_shared>>) target(%dma_start3A_28 : memref<640x128xf32, #tpu.memory_space<hbm>>) target_semaphore(%run_scoped3A : memref<!tpu.dma_semaphore, #tpu.memory_space<semaphore_mem>>)
      %dma_wait3A = arith.constant 0 : i32
      %dma_wait3A_31 = tpu.memref_slice %arg6[%arg0, %mul3A_26, %dma_wait3A] : memref<2x10240x128xf32, #tpu.memory_space<hbm>> -> memref<1x640x128xf32, #tpu.memory_space<hbm>>
      %dma_wait3A_32 = tpu.memref_squeeze %dma_wait3A_31 : memref<1x640x128xf32, #tpu.memory_space<hbm>> -> memref<640x128xf32, #tpu.memory_space<hbm>>
      %dma_wait3A_33 = arith.constant 0 : i32
      %dma_wait3A_34 = tpu.memref_slice %arg11[%mul3A_24, %dma_wait3A_33] : memref<10240x128xf32, #tpu.memory_space<vmem_shared>> -> memref<640x128xf32, #tpu.memory_space<vmem_shared>>
      tpu.wait_dma2 semaphore(%run_scoped3A : memref<!tpu.dma_semaphore, #tpu.memory_space<semaphore_mem>>) src(%dma_wait3A_34 : memref<640x128xf32, #tpu.memory_space<vmem_shared>>) dst(%dma_wait3A_32 : memref<640x128xf32, #tpu.memory_space<hbm>>)
      tpu.yield
    }) : () -> ()
    return
  }
}

#map = affine_map<(d0, d1) -> (0, 0)>
#map1 = affine_map<(d0, d1) -> (0, 0, 0)>
module attributes {stable_mosaic.version = 14 : i64} {
  func.func @_sc_agg_body(%arg0: i32, %arg1: i32, %arg2: memref<10240x128xf32, #tpu.memory_space<hbm>>, %arg3: memref<2560x128xi32, #tpu.memory_space<hbm>>, %arg4: memref<2560x128xi32, #tpu.memory_space<hbm>>, %arg5: memref<640x128xf32, #tpu.memory_space<hbm>>, %arg6: memref<2x10240x128xf32, #tpu.memory_space<hbm>>, %arg7: memref<40x128xi32, #tpu.memory_space<vmem>>, %arg8: memref<40x128xi32, #tpu.memory_space<vmem>>, %arg9: memref<128x128xf32, #tpu.memory_space<vmem>>, %arg10: memref<128x128xf32, #tpu.memory_space<vmem>>, %arg11: memref<10240x128xf32, #tpu.memory_space<vmem_shared>>, %arg12: memref<!tpu.dma_semaphore, #tpu.memory_space<semaphore_mem>>, %arg13: memref<!tpu.dma_semaphore, #tpu.memory_space<semaphore_mem>>, %arg14: memref<!tpu.dma_semaphore, #tpu.memory_space<semaphore_mem>>, %arg15: memref<!tpu.dma_semaphore, #tpu.memory_space<semaphore_mem>>) attributes {dimension_semantics = [#tpu.dimension_semantics<core_parallel>, #tpu.dimension_semantics<subcore_parallel>], iteration_bounds = array<i64: 2, 16>, scalar_prefetch = 0 : i64, scratch_operands = 9 : i64, tpu.core_type = #tpu.core_type<sc_vector_subcore>, window_params = [{transform_indices = #map}, {transform_indices = #map}, {transform_indices = #map}, {transform_indices = #map}, {transform_indices = #map1}]} {
    %mul3A = arith.constant 640 : i32
    %mul3A_0 = arith.muli %arg1, %mul3A : i32
    "tpu.region"() ({
      %run_scoped3A = tpu.sem_alloc : memref<!tpu.dma_semaphore, #tpu.memory_space<semaphore_mem>>
      %dma_start3A = arith.constant 0 : i32
      %dma_start3A_27 = tpu.memref_slice %arg11[%mul3A_0, %dma_start3A] : memref<10240x128xf32, #tpu.memory_space<vmem_shared>> -> memref<640x128xf32, #tpu.memory_space<vmem_shared>>
      tpu.enqueue_dma source(%arg5 : memref<640x128xf32, #tpu.memory_space<hbm>>) target(%dma_start3A_27 : memref<640x128xf32, #tpu.memory_space<vmem_shared>>) target_semaphore(%run_scoped3A : memref<!tpu.dma_semaphore, #tpu.memory_space<semaphore_mem>>)
      %dma_wait3A = arith.constant 0 : i32
      %dma_wait3A_28 = tpu.memref_slice %arg11[%mul3A_0, %dma_wait3A] : memref<10240x128xf32, #tpu.memory_space<vmem_shared>> -> memref<640x128xf32, #tpu.memory_space<vmem_shared>>
      tpu.wait_dma2 semaphore(%run_scoped3A : memref<!tpu.dma_semaphore, #tpu.memory_space<semaphore_mem>>) src(%arg5 : memref<640x128xf32, #tpu.memory_space<hbm>>) dst(%dma_wait3A_28 : memref<640x128xf32, #tpu.memory_space<vmem_shared>>)
      tpu.yield
    }) : () -> ()
    %barrier3A = arith.constant 0 : index
    tpu.barrier barrier_id(%barrier3A)
    %eq3A = arith.constant 0 : i32
    %eq3A_1 = arith.cmpi eq, %arg0, %eq3A : i32
    %mul3A_2 = arith.constant 120 : i32
    %mul3A_3 = arith.muli %arg1, %mul3A_2 : i32
    %mul3A_4 = arith.constant 40 : i32
    %mul3A_5 = arith.muli %arg1, %mul3A_4 : i32
    %add3A = arith.constant 1920 : i32
    %add3A_6 = arith.addi %add3A, %mul3A_5 : i32
    %select_n3A = arith.select %eq3A_1, %mul3A_3, %add3A_6 : i32
    %eq3A_7 = arith.constant 0 : i32
    %eq3A_8 = arith.cmpi eq, %arg0, %eq3A_7 : i32
    %jit3A = arith.constant 3 : i32
    %jit3A_9 = arith.constant 1 : i32
    %select_n3A_10 = arith.select %eq3A_8, %jit3A, %jit3A_9 : i32
    %while3A = arith.constant 0 : i32
    %while3A_11 = arith.constant 0 : i32
    %while3A_12 = arith.subi %select_n3A_10, %while3A : i32
    %while3A_13 = arith.addi %while3A, %while3A_12 : i32
    %while3A_14 = arith.constant 1 : i32
    %while3A_15 = arith.divsi %while3A_12, %while3A_14 : i32
    %while3A_16 = arith.muli %while3A_15, %while3A_14 : i32
    %while3A_17 = arith.addi %while3A, %while3A_16 : i32
    %while3A_18 = arith.constant 1 : i32
    %while3A_19 = scf.for %while3A_27 = %while3A to %while3A_17 step %while3A_18 iter_args(%while3A_28 = %while3A_11) -> (i32)  : i32 {
      %mul3A_29 = arith.constant 40 : i32
      %mul3A_30 = arith.muli %while3A_27, %mul3A_29 : i32
      %add3A_31 = arith.addi %select_n3A, %mul3A_30 : i32
      "tpu.region"() ({
        %run_scoped3A = tpu.sem_alloc : memref<!tpu.dma_semaphore, #tpu.memory_space<semaphore_mem>>
        %dma_start3A_51 = arith.constant 0 : i32
        %dma_start3A_52 = tpu.memref_slice %arg3[%add3A_31, %dma_start3A_51] : memref<2560x128xi32, #tpu.memory_space<hbm>> -> memref<40x128xi32, #tpu.memory_space<hbm>>
        %dma_start3A_53 = arith.constant 0 : i32
        %dma_start3A_54 = tpu.memref_slice %arg3[%add3A_31, %dma_start3A_53] : memref<2560x128xi32, #tpu.memory_space<hbm>> -> memref<40x128xi32, #tpu.memory_space<hbm>>
        tpu.enqueue_dma source(%dma_start3A_54 : memref<40x128xi32, #tpu.memory_space<hbm>>) target(%arg7 : memref<40x128xi32, #tpu.memory_space<vmem>>) target_semaphore(%run_scoped3A : memref<!tpu.dma_semaphore, #tpu.memory_space<semaphore_mem>>)
        %dma_wait3A = arith.constant 0 : i32
        %dma_wait3A_55 = tpu.memref_slice %arg3[%add3A_31, %dma_wait3A] : memref<2560x128xi32, #tpu.memory_space<hbm>> -> memref<40x128xi32, #tpu.memory_space<hbm>>
        %dma_wait3A_56 = arith.constant 0 : i32
        %dma_wait3A_57 = tpu.memref_slice %arg3[%add3A_31, %dma_wait3A_56] : memref<2560x128xi32, #tpu.memory_space<hbm>> -> memref<40x128xi32, #tpu.memory_space<hbm>>
        tpu.wait_dma2 semaphore(%run_scoped3A : memref<!tpu.dma_semaphore, #tpu.memory_space<semaphore_mem>>) src(%dma_wait3A_57 : memref<40x128xi32, #tpu.memory_space<hbm>>) dst(%arg7 : memref<40x128xi32, #tpu.memory_space<vmem>>)
        tpu.yield
      }) : () -> ()
      %mul3A_32 = arith.constant 40 : i32
      %mul3A_33 = arith.muli %while3A_27, %mul3A_32 : i32
      %add3A_34 = arith.addi %select_n3A, %mul3A_33 : i32
      "tpu.region"() ({
        %run_scoped3A = tpu.sem_alloc : memref<!tpu.dma_semaphore, #tpu.memory_space<semaphore_mem>>
        %dma_start3A_51 = arith.constant 0 : i32
        %dma_start3A_52 = tpu.memref_slice %arg4[%add3A_34, %dma_start3A_51] : memref<2560x128xi32, #tpu.memory_space<hbm>> -> memref<40x128xi32, #tpu.memory_space<hbm>>
        %dma_start3A_53 = arith.constant 0 : i32
        %dma_start3A_54 = tpu.memref_slice %arg4[%add3A_34, %dma_start3A_53] : memref<2560x128xi32, #tpu.memory_space<hbm>> -> memref<40x128xi32, #tpu.memory_space<hbm>>
        tpu.enqueue_dma source(%dma_start3A_54 : memref<40x128xi32, #tpu.memory_space<hbm>>) target(%arg8 : memref<40x128xi32, #tpu.memory_space<vmem>>) target_semaphore(%run_scoped3A : memref<!tpu.dma_semaphore, #tpu.memory_space<semaphore_mem>>)
        %dma_wait3A = arith.constant 0 : i32
        %dma_wait3A_55 = tpu.memref_slice %arg4[%add3A_34, %dma_wait3A] : memref<2560x128xi32, #tpu.memory_space<hbm>> -> memref<40x128xi32, #tpu.memory_space<hbm>>
        %dma_wait3A_56 = arith.constant 0 : i32
        %dma_wait3A_57 = tpu.memref_slice %arg4[%add3A_34, %dma_wait3A_56] : memref<2560x128xi32, #tpu.memory_space<hbm>> -> memref<40x128xi32, #tpu.memory_space<hbm>>
        tpu.wait_dma2 semaphore(%run_scoped3A : memref<!tpu.dma_semaphore, #tpu.memory_space<semaphore_mem>>) src(%dma_wait3A_57 : memref<40x128xi32, #tpu.memory_space<hbm>>) dst(%arg8 : memref<40x128xi32, #tpu.memory_space<vmem>>)
        tpu.yield
      }) : () -> ()
      %dma_start3A = arith.constant 0 : i32
      %dma_start3A_35 = arith.constant 0 : i32
      %dma_start3A_36 = arith.constant 0 : i32
      %dma_start3A_37 = tpu.memref_slice %arg9[%dma_start3A_35, %dma_start3A_36] : memref<128x128xf32, #tpu.memory_space<vmem>> -> memref<128x128xf32, #tpu.memory_space<vmem>>
      %dma_start3A_38 = arith.constant 0 : i32
      %dma_start3A_39 = tpu.memref_slice %arg7[%dma_start3A, %dma_start3A_38] : memref<40x128xi32, #tpu.memory_space<vmem>> -> memref<1x128xi32, #tpu.memory_space<vmem>>
      %dma_start3A_40 = tpu.memref_squeeze %dma_start3A_39 : memref<1x128xi32, #tpu.memory_space<vmem>> -> memref<128xi32, #tpu.memory_space<vmem>>
      %dma_start3A_41 = arith.constant 0 : i32
      %dma_start3A_42 = arith.constant 0 : i32
      %dma_start3A_43 = tpu.memref_slice %arg2[%dma_start3A_41, %dma_start3A_42] : memref<10240x128xf32, #tpu.memory_space<hbm>> -> memref<10240x128xf32, #tpu.memory_space<hbm>>
      tpu.enqueue_indirect_dma source(%dma_start3A_43 : memref<10240x128xf32, #tpu.memory_space<hbm>>) target(%dma_start3A_37 : memref<128x128xf32, #tpu.memory_space<vmem>>) offsets(%dma_start3A_40 : memref<128xi32, #tpu.memory_space<vmem>>) semaphore(%arg12 : memref<!tpu.dma_semaphore, #tpu.memory_space<semaphore_mem>>)
      %scan3A = arith.constant 0 : i32
      %scan3A_44 = arith.constant 0 : i32
      %scan3A_45 = arith.constant 20 : i32
      %scan3A_46 = arith.addi %scan3A_44, %scan3A_45 : i32
      %scan3A_47 = arith.constant 1 : i32
      %scan3A_48 = scf.for %scan3A_51 = %scan3A_44 to %scan3A_46 step %scan3A_47 iter_args(%scan3A_52 = %scan3A) -> (i32)  : i32 {
        %mul3A_53 = arith.constant 2 : i32
        %mul3A_54 = arith.muli %mul3A_53, %scan3A_51 : i32
        %add3A_55 = arith.constant 1 : i32
        %add3A_56 = arith.addi %mul3A_54, %add3A_55 : i32
        %dma_start3A_57 = arith.constant 0 : i32
        %dma_start3A_58 = arith.constant 0 : i32
        %dma_start3A_59 = tpu.memref_slice %arg10[%dma_start3A_57, %dma_start3A_58] : memref<128x128xf32, #tpu.memory_space<vmem>> -> memref<128x128xf32, #tpu.memory_space<vmem>>
        %dma_start3A_60 = arith.constant 0 : i32
        %dma_start3A_61 = tpu.memref_slice %arg7[%add3A_56, %dma_start3A_60] : memref<40x128xi32, #tpu.memory_space<vmem>> -> memref<1x128xi32, #tpu.memory_space<vmem>>
        %dma_start3A_62 = tpu.memref_squeeze %dma_start3A_61 : memref<1x128xi32, #tpu.memory_space<vmem>> -> memref<128xi32, #tpu.memory_space<vmem>>
        %dma_start3A_63 = arith.constant 0 : i32
        %dma_start3A_64 = arith.constant 0 : i32
        %dma_start3A_65 = tpu.memref_slice %arg2[%dma_start3A_63, %dma_start3A_64] : memref<10240x128xf32, #tpu.memory_space<hbm>> -> memref<10240x128xf32, #tpu.memory_space<hbm>>
        tpu.enqueue_indirect_dma source(%dma_start3A_65 : memref<10240x128xf32, #tpu.memory_space<hbm>>) target(%dma_start3A_59 : memref<128x128xf32, #tpu.memory_space<vmem>>) offsets(%dma_start3A_62 : memref<128xi32, #tpu.memory_space<vmem>>) semaphore(%arg13 : memref<!tpu.dma_semaphore, #tpu.memory_space<semaphore_mem>>)
        %dma_wait3A = arith.constant 0 : i32
        %dma_wait3A_66 = arith.constant 0 : i32
        %dma_wait3A_67 = tpu.memref_slice %arg9[%dma_wait3A, %dma_wait3A_66] : memref<128x128xf32, #tpu.memory_space<vmem>> -> memref<128x128xf32, #tpu.memory_space<vmem>>
        %dma_wait3A_68 = arith.constant 0 : i32
        %dma_wait3A_69 = tpu.memref_slice %arg7[%mul3A_54, %dma_wait3A_68] : memref<40x128xi32, #tpu.memory_space<vmem>> -> memref<1x128xi32, #tpu.memory_space<vmem>>
        %dma_wait3A_70 = tpu.memref_squeeze %dma_wait3A_69 : memref<1x128xi32, #tpu.memory_space<vmem>> -> memref<128xi32, #tpu.memory_space<vmem>>
        %dma_wait3A_71 = arith.constant 0 : i32
        %dma_wait3A_72 = arith.constant 0 : i32
        %dma_wait3A_73 = tpu.memref_slice %arg2[%dma_wait3A_71, %dma_wait3A_72] : memref<10240x128xf32, #tpu.memory_space<hbm>> -> memref<10240x128xf32, #tpu.memory_space<hbm>>
        tpu.wait_indirect_dma semaphore(%arg12 : memref<!tpu.dma_semaphore, #tpu.memory_space<semaphore_mem>>) src(%dma_wait3A_73 : memref<10240x128xf32, #tpu.memory_space<hbm>>) dst(%dma_wait3A_67 : memref<128x128xf32, #tpu.memory_space<vmem>>)
        %dma_start3A_74 = arith.constant 0 : i32
        %dma_start3A_75 = tpu.memref_slice %arg8[%mul3A_54, %dma_start3A_74] : memref<40x128xi32, #tpu.memory_space<vmem>> -> memref<1x128xi32, #tpu.memory_space<vmem>>
        %dma_start3A_76 = tpu.memref_squeeze %dma_start3A_75 : memref<1x128xi32, #tpu.memory_space<vmem>> -> memref<128xi32, #tpu.memory_space<vmem>>
        %dma_start3A_77 = arith.constant 0 : i32
        %dma_start3A_78 = arith.constant 0 : i32
        %dma_start3A_79 = tpu.memref_slice %arg11[%dma_start3A_77, %dma_start3A_78] : memref<10240x128xf32, #tpu.memory_space<vmem_shared>> -> memref<10240x128xf32, #tpu.memory_space<vmem_shared>>
        tpu.enqueue_indirect_dma source(%arg9 : memref<128x128xf32, #tpu.memory_space<vmem>>) target(%dma_start3A_79 : memref<10240x128xf32, #tpu.memory_space<vmem_shared>>) offsets(%dma_start3A_76 : memref<128xi32, #tpu.memory_space<vmem>>) semaphore(%arg14 : memref<!tpu.dma_semaphore, #tpu.memory_space<semaphore_mem>>) {add = true}
        %add3A_80 = arith.constant 1 : i32
        %add3A_81 = arith.addi %mul3A_54, %add3A_80 : i32
        %dma_wait3A_82 = arith.constant 0 : i32
        %dma_wait3A_83 = arith.constant 0 : i32
        %dma_wait3A_84 = tpu.memref_slice %arg10[%dma_wait3A_82, %dma_wait3A_83] : memref<128x128xf32, #tpu.memory_space<vmem>> -> memref<128x128xf32, #tpu.memory_space<vmem>>
        %dma_wait3A_85 = arith.constant 0 : i32
        %dma_wait3A_86 = tpu.memref_slice %arg7[%add3A_81, %dma_wait3A_85] : memref<40x128xi32, #tpu.memory_space<vmem>> -> memref<1x128xi32, #tpu.memory_space<vmem>>
        %dma_wait3A_87 = tpu.memref_squeeze %dma_wait3A_86 : memref<1x128xi32, #tpu.memory_space<vmem>> -> memref<128xi32, #tpu.memory_space<vmem>>
        %dma_wait3A_88 = arith.constant 0 : i32
        %dma_wait3A_89 = arith.constant 0 : i32
        %dma_wait3A_90 = tpu.memref_slice %arg2[%dma_wait3A_88, %dma_wait3A_89] : memref<10240x128xf32, #tpu.memory_space<hbm>> -> memref<10240x128xf32, #tpu.memory_space<hbm>>
        tpu.wait_indirect_dma semaphore(%arg13 : memref<!tpu.dma_semaphore, #tpu.memory_space<semaphore_mem>>) src(%dma_wait3A_90 : memref<10240x128xf32, #tpu.memory_space<hbm>>) dst(%dma_wait3A_84 : memref<128x128xf32, #tpu.memory_space<vmem>>)
        %add3A_91 = arith.constant 1 : i32
        %add3A_92 = arith.addi %mul3A_54, %add3A_91 : i32
        %dma_start3A_93 = arith.constant 0 : i32
        %dma_start3A_94 = tpu.memref_slice %arg8[%add3A_92, %dma_start3A_93] : memref<40x128xi32, #tpu.memory_space<vmem>> -> memref<1x128xi32, #tpu.memory_space<vmem>>
        %dma_start3A_95 = tpu.memref_squeeze %dma_start3A_94 : memref<1x128xi32, #tpu.memory_space<vmem>> -> memref<128xi32, #tpu.memory_space<vmem>>
        %dma_start3A_96 = arith.constant 0 : i32
        %dma_start3A_97 = arith.constant 0 : i32
        %dma_start3A_98 = tpu.memref_slice %arg11[%dma_start3A_96, %dma_start3A_97] : memref<10240x128xf32, #tpu.memory_space<vmem_shared>> -> memref<10240x128xf32, #tpu.memory_space<vmem_shared>>
        tpu.enqueue_indirect_dma source(%arg10 : memref<128x128xf32, #tpu.memory_space<vmem>>) target(%dma_start3A_98 : memref<10240x128xf32, #tpu.memory_space<vmem_shared>>) offsets(%dma_start3A_95 : memref<128xi32, #tpu.memory_space<vmem>>) semaphore(%arg15 : memref<!tpu.dma_semaphore, #tpu.memory_space<semaphore_mem>>) {add = true}
        %dma_wait3A_99 = arith.constant 0 : i32
        %dma_wait3A_100 = tpu.memref_slice %arg8[%mul3A_54, %dma_wait3A_99] : memref<40x128xi32, #tpu.memory_space<vmem>> -> memref<1x128xi32, #tpu.memory_space<vmem>>
        %dma_wait3A_101 = tpu.memref_squeeze %dma_wait3A_100 : memref<1x128xi32, #tpu.memory_space<vmem>> -> memref<128xi32, #tpu.memory_space<vmem>>
        %dma_wait3A_102 = arith.constant 0 : i32
        %dma_wait3A_103 = arith.constant 0 : i32
        %dma_wait3A_104 = tpu.memref_slice %arg11[%dma_wait3A_102, %dma_wait3A_103] : memref<10240x128xf32, #tpu.memory_space<vmem_shared>> -> memref<10240x128xf32, #tpu.memory_space<vmem_shared>>
        tpu.wait_indirect_dma semaphore(%arg14 : memref<!tpu.dma_semaphore, #tpu.memory_space<semaphore_mem>>) src(%arg9 : memref<128x128xf32, #tpu.memory_space<vmem>>) dst(%dma_wait3A_104 : memref<10240x128xf32, #tpu.memory_space<vmem_shared>>)
        %add3A_105 = arith.constant 2 : i32
        %add3A_106 = arith.addi %mul3A_54, %add3A_105 : i32
        %lt3A = arith.constant 40 : i32
        %lt3A_107 = arith.cmpi slt, %add3A_106, %lt3A : i32
        %convert_element_type3A = arith.extui %lt3A_107 : i1 to i32
        %cond3A = arith.constant 0 : i32
        %cond3A_108 = arith.cmpi ne, %convert_element_type3A, %cond3A : i32
        scf.if %cond3A_108 {
          %add3A_118 = arith.constant 2 : i32
          %add3A_119 = arith.addi %mul3A_54, %add3A_118 : i32
          %dma_start3A_120 = arith.constant 0 : i32
          %dma_start3A_121 = arith.constant 0 : i32
          %dma_start3A_122 = tpu.memref_slice %arg9[%dma_start3A_120, %dma_start3A_121] : memref<128x128xf32, #tpu.memory_space<vmem>> -> memref<128x128xf32, #tpu.memory_space<vmem>>
          %dma_start3A_123 = arith.constant 0 : i32
          %dma_start3A_124 = tpu.memref_slice %arg7[%add3A_119, %dma_start3A_123] : memref<40x128xi32, #tpu.memory_space<vmem>> -> memref<1x128xi32, #tpu.memory_space<vmem>>
          %dma_start3A_125 = tpu.memref_squeeze %dma_start3A_124 : memref<1x128xi32, #tpu.memory_space<vmem>> -> memref<128xi32, #tpu.memory_space<vmem>>
          %dma_start3A_126 = arith.constant 0 : i32
          %dma_start3A_127 = arith.constant 0 : i32
          %dma_start3A_128 = tpu.memref_slice %arg2[%dma_start3A_126, %dma_start3A_127] : memref<10240x128xf32, #tpu.memory_space<hbm>> -> memref<10240x128xf32, #tpu.memory_space<hbm>>
          tpu.enqueue_indirect_dma source(%dma_start3A_128 : memref<10240x128xf32, #tpu.memory_space<hbm>>) target(%dma_start3A_122 : memref<128x128xf32, #tpu.memory_space<vmem>>) offsets(%dma_start3A_125 : memref<128xi32, #tpu.memory_space<vmem>>) semaphore(%arg12 : memref<!tpu.dma_semaphore, #tpu.memory_space<semaphore_mem>>)
        } else {
        }
        %add3A_109 = arith.constant 1 : i32
        %add3A_110 = arith.addi %mul3A_54, %add3A_109 : i32
        %dma_wait3A_111 = arith.constant 0 : i32
        %dma_wait3A_112 = tpu.memref_slice %arg8[%add3A_110, %dma_wait3A_111] : memref<40x128xi32, #tpu.memory_space<vmem>> -> memref<1x128xi32, #tpu.memory_space<vmem>>
        %dma_wait3A_113 = tpu.memref_squeeze %dma_wait3A_112 : memref<1x128xi32, #tpu.memory_space<vmem>> -> memref<128xi32, #tpu.memory_space<vmem>>
        %dma_wait3A_114 = arith.constant 0 : i32
        %dma_wait3A_115 = arith.constant 0 : i32
        %dma_wait3A_116 = tpu.memref_slice %arg11[%dma_wait3A_114, %dma_wait3A_115] : memref<10240x128xf32, #tpu.memory_space<vmem_shared>> -> memref<10240x128xf32, #tpu.memory_space<vmem_shared>>
        tpu.wait_indirect_dma semaphore(%arg15 : memref<!tpu.dma_semaphore, #tpu.memory_space<semaphore_mem>>) src(%arg10 : memref<128x128xf32, #tpu.memory_space<vmem>>) dst(%dma_wait3A_116 : memref<10240x128xf32, #tpu.memory_space<vmem_shared>>)
        %scan3A_117 = arith.constant 0 : i32
        scf.yield %scan3A_117 : i32
      }
      %scan3A_49 = arith.constant 20 : i32
      %while3A_50 = arith.constant 0 : i32
      scf.yield %while3A_50 : i32
    }
    %while3A_20 = arith.constant 1 : i32
    %while3A_21 = scf.for %while3A_27 = %while3A_17 to %while3A_13 step %while3A_20 iter_args(%while3A_28 = %while3A_19) -> (i32)  : i32 {
      %mul3A_29 = arith.constant 40 : i32
      %mul3A_30 = arith.muli %while3A_27, %mul3A_29 : i32
      %add3A_31 = arith.addi %select_n3A, %mul3A_30 : i32
      "tpu.region"() ({
        %run_scoped3A = tpu.sem_alloc : memref<!tpu.dma_semaphore, #tpu.memory_space<semaphore_mem>>
        %dma_start3A_51 = arith.constant 0 : i32
        %dma_start3A_52 = tpu.memref_slice %arg3[%add3A_31, %dma_start3A_51] : memref<2560x128xi32, #tpu.memory_space<hbm>> -> memref<40x128xi32, #tpu.memory_space<hbm>>
        %dma_start3A_53 = arith.constant 0 : i32
        %dma_start3A_54 = tpu.memref_slice %arg3[%add3A_31, %dma_start3A_53] : memref<2560x128xi32, #tpu.memory_space<hbm>> -> memref<40x128xi32, #tpu.memory_space<hbm>>
        tpu.enqueue_dma source(%dma_start3A_54 : memref<40x128xi32, #tpu.memory_space<hbm>>) target(%arg7 : memref<40x128xi32, #tpu.memory_space<vmem>>) target_semaphore(%run_scoped3A : memref<!tpu.dma_semaphore, #tpu.memory_space<semaphore_mem>>)
        %dma_wait3A = arith.constant 0 : i32
        %dma_wait3A_55 = tpu.memref_slice %arg3[%add3A_31, %dma_wait3A] : memref<2560x128xi32, #tpu.memory_space<hbm>> -> memref<40x128xi32, #tpu.memory_space<hbm>>
        %dma_wait3A_56 = arith.constant 0 : i32
        %dma_wait3A_57 = tpu.memref_slice %arg3[%add3A_31, %dma_wait3A_56] : memref<2560x128xi32, #tpu.memory_space<hbm>> -> memref<40x128xi32, #tpu.memory_space<hbm>>
        tpu.wait_dma2 semaphore(%run_scoped3A : memref<!tpu.dma_semaphore, #tpu.memory_space<semaphore_mem>>) src(%dma_wait3A_57 : memref<40x128xi32, #tpu.memory_space<hbm>>) dst(%arg7 : memref<40x128xi32, #tpu.memory_space<vmem>>)
        tpu.yield
      }) : () -> ()
      %mul3A_32 = arith.constant 40 : i32
      %mul3A_33 = arith.muli %while3A_27, %mul3A_32 : i32
      %add3A_34 = arith.addi %select_n3A, %mul3A_33 : i32
      "tpu.region"() ({
        %run_scoped3A = tpu.sem_alloc : memref<!tpu.dma_semaphore, #tpu.memory_space<semaphore_mem>>
        %dma_start3A_51 = arith.constant 0 : i32
        %dma_start3A_52 = tpu.memref_slice %arg4[%add3A_34, %dma_start3A_51] : memref<2560x128xi32, #tpu.memory_space<hbm>> -> memref<40x128xi32, #tpu.memory_space<hbm>>
        %dma_start3A_53 = arith.constant 0 : i32
        %dma_start3A_54 = tpu.memref_slice %arg4[%add3A_34, %dma_start3A_53] : memref<2560x128xi32, #tpu.memory_space<hbm>> -> memref<40x128xi32, #tpu.memory_space<hbm>>
        tpu.enqueue_dma source(%dma_start3A_54 : memref<40x128xi32, #tpu.memory_space<hbm>>) target(%arg8 : memref<40x128xi32, #tpu.memory_space<vmem>>) target_semaphore(%run_scoped3A : memref<!tpu.dma_semaphore, #tpu.memory_space<semaphore_mem>>)
        %dma_wait3A = arith.constant 0 : i32
        %dma_wait3A_55 = tpu.memref_slice %arg4[%add3A_34, %dma_wait3A] : memref<2560x128xi32, #tpu.memory_space<hbm>> -> memref<40x128xi32, #tpu.memory_space<hbm>>
        %dma_wait3A_56 = arith.constant 0 : i32
        %dma_wait3A_57 = tpu.memref_slice %arg4[%add3A_34, %dma_wait3A_56] : memref<2560x128xi32, #tpu.memory_space<hbm>> -> memref<40x128xi32, #tpu.memory_space<hbm>>
        tpu.wait_dma2 semaphore(%run_scoped3A : memref<!tpu.dma_semaphore, #tpu.memory_space<semaphore_mem>>) src(%dma_wait3A_57 : memref<40x128xi32, #tpu.memory_space<hbm>>) dst(%arg8 : memref<40x128xi32, #tpu.memory_space<vmem>>)
        tpu.yield
      }) : () -> ()
      %dma_start3A = arith.constant 0 : i32
      %dma_start3A_35 = arith.constant 0 : i32
      %dma_start3A_36 = arith.constant 0 : i32
      %dma_start3A_37 = tpu.memref_slice %arg9[%dma_start3A_35, %dma_start3A_36] : memref<128x128xf32, #tpu.memory_space<vmem>> -> memref<128x128xf32, #tpu.memory_space<vmem>>
      %dma_start3A_38 = arith.constant 0 : i32
      %dma_start3A_39 = tpu.memref_slice %arg7[%dma_start3A, %dma_start3A_38] : memref<40x128xi32, #tpu.memory_space<vmem>> -> memref<1x128xi32, #tpu.memory_space<vmem>>
      %dma_start3A_40 = tpu.memref_squeeze %dma_start3A_39 : memref<1x128xi32, #tpu.memory_space<vmem>> -> memref<128xi32, #tpu.memory_space<vmem>>
      %dma_start3A_41 = arith.constant 0 : i32
      %dma_start3A_42 = arith.constant 0 : i32
      %dma_start3A_43 = tpu.memref_slice %arg2[%dma_start3A_41, %dma_start3A_42] : memref<10240x128xf32, #tpu.memory_space<hbm>> -> memref<10240x128xf32, #tpu.memory_space<hbm>>
      tpu.enqueue_indirect_dma source(%dma_start3A_43 : memref<10240x128xf32, #tpu.memory_space<hbm>>) target(%dma_start3A_37 : memref<128x128xf32, #tpu.memory_space<vmem>>) offsets(%dma_start3A_40 : memref<128xi32, #tpu.memory_space<vmem>>) semaphore(%arg12 : memref<!tpu.dma_semaphore, #tpu.memory_space<semaphore_mem>>)
      %scan3A = arith.constant 0 : i32
      %scan3A_44 = arith.constant 0 : i32
      %scan3A_45 = arith.constant 20 : i32
      %scan3A_46 = arith.addi %scan3A_44, %scan3A_45 : i32
      %scan3A_47 = arith.constant 1 : i32
      %scan3A_48 = scf.for %scan3A_51 = %scan3A_44 to %scan3A_46 step %scan3A_47 iter_args(%scan3A_52 = %scan3A) -> (i32)  : i32 {
        %mul3A_53 = arith.constant 2 : i32
        %mul3A_54 = arith.muli %mul3A_53, %scan3A_51 : i32
        %add3A_55 = arith.constant 1 : i32
        %add3A_56 = arith.addi %mul3A_54, %add3A_55 : i32
        %dma_start3A_57 = arith.constant 0 : i32
        %dma_start3A_58 = arith.constant 0 : i32
        %dma_start3A_59 = tpu.memref_slice %arg10[%dma_start3A_57, %dma_start3A_58] : memref<128x128xf32, #tpu.memory_space<vmem>> -> memref<128x128xf32, #tpu.memory_space<vmem>>
        %dma_start3A_60 = arith.constant 0 : i32
        %dma_start3A_61 = tpu.memref_slice %arg7[%add3A_56, %dma_start3A_60] : memref<40x128xi32, #tpu.memory_space<vmem>> -> memref<1x128xi32, #tpu.memory_space<vmem>>
        %dma_start3A_62 = tpu.memref_squeeze %dma_start3A_61 : memref<1x128xi32, #tpu.memory_space<vmem>> -> memref<128xi32, #tpu.memory_space<vmem>>
        %dma_start3A_63 = arith.constant 0 : i32
        %dma_start3A_64 = arith.constant 0 : i32
        %dma_start3A_65 = tpu.memref_slice %arg2[%dma_start3A_63, %dma_start3A_64] : memref<10240x128xf32, #tpu.memory_space<hbm>> -> memref<10240x128xf32, #tpu.memory_space<hbm>>
        tpu.enqueue_indirect_dma source(%dma_start3A_65 : memref<10240x128xf32, #tpu.memory_space<hbm>>) target(%dma_start3A_59 : memref<128x128xf32, #tpu.memory_space<vmem>>) offsets(%dma_start3A_62 : memref<128xi32, #tpu.memory_space<vmem>>) semaphore(%arg13 : memref<!tpu.dma_semaphore, #tpu.memory_space<semaphore_mem>>)
        %dma_wait3A = arith.constant 0 : i32
        %dma_wait3A_66 = arith.constant 0 : i32
        %dma_wait3A_67 = tpu.memref_slice %arg9[%dma_wait3A, %dma_wait3A_66] : memref<128x128xf32, #tpu.memory_space<vmem>> -> memref<128x128xf32, #tpu.memory_space<vmem>>
        %dma_wait3A_68 = arith.constant 0 : i32
        %dma_wait3A_69 = tpu.memref_slice %arg7[%mul3A_54, %dma_wait3A_68] : memref<40x128xi32, #tpu.memory_space<vmem>> -> memref<1x128xi32, #tpu.memory_space<vmem>>
        %dma_wait3A_70 = tpu.memref_squeeze %dma_wait3A_69 : memref<1x128xi32, #tpu.memory_space<vmem>> -> memref<128xi32, #tpu.memory_space<vmem>>
        %dma_wait3A_71 = arith.constant 0 : i32
        %dma_wait3A_72 = arith.constant 0 : i32
        %dma_wait3A_73 = tpu.memref_slice %arg2[%dma_wait3A_71, %dma_wait3A_72] : memref<10240x128xf32, #tpu.memory_space<hbm>> -> memref<10240x128xf32, #tpu.memory_space<hbm>>
        tpu.wait_indirect_dma semaphore(%arg12 : memref<!tpu.dma_semaphore, #tpu.memory_space<semaphore_mem>>) src(%dma_wait3A_73 : memref<10240x128xf32, #tpu.memory_space<hbm>>) dst(%dma_wait3A_67 : memref<128x128xf32, #tpu.memory_space<vmem>>)
        %dma_start3A_74 = arith.constant 0 : i32
        %dma_start3A_75 = tpu.memref_slice %arg8[%mul3A_54, %dma_start3A_74] : memref<40x128xi32, #tpu.memory_space<vmem>> -> memref<1x128xi32, #tpu.memory_space<vmem>>
        %dma_start3A_76 = tpu.memref_squeeze %dma_start3A_75 : memref<1x128xi32, #tpu.memory_space<vmem>> -> memref<128xi32, #tpu.memory_space<vmem>>
        %dma_start3A_77 = arith.constant 0 : i32
        %dma_start3A_78 = arith.constant 0 : i32
        %dma_start3A_79 = tpu.memref_slice %arg11[%dma_start3A_77, %dma_start3A_78] : memref<10240x128xf32, #tpu.memory_space<vmem_shared>> -> memref<10240x128xf32, #tpu.memory_space<vmem_shared>>
        tpu.enqueue_indirect_dma source(%arg9 : memref<128x128xf32, #tpu.memory_space<vmem>>) target(%dma_start3A_79 : memref<10240x128xf32, #tpu.memory_space<vmem_shared>>) offsets(%dma_start3A_76 : memref<128xi32, #tpu.memory_space<vmem>>) semaphore(%arg14 : memref<!tpu.dma_semaphore, #tpu.memory_space<semaphore_mem>>) {add = true}
        %add3A_80 = arith.constant 1 : i32
        %add3A_81 = arith.addi %mul3A_54, %add3A_80 : i32
        %dma_wait3A_82 = arith.constant 0 : i32
        %dma_wait3A_83 = arith.constant 0 : i32
        %dma_wait3A_84 = tpu.memref_slice %arg10[%dma_wait3A_82, %dma_wait3A_83] : memref<128x128xf32, #tpu.memory_space<vmem>> -> memref<128x128xf32, #tpu.memory_space<vmem>>
        %dma_wait3A_85 = arith.constant 0 : i32
        %dma_wait3A_86 = tpu.memref_slice %arg7[%add3A_81, %dma_wait3A_85] : memref<40x128xi32, #tpu.memory_space<vmem>> -> memref<1x128xi32, #tpu.memory_space<vmem>>
        %dma_wait3A_87 = tpu.memref_squeeze %dma_wait3A_86 : memref<1x128xi32, #tpu.memory_space<vmem>> -> memref<128xi32, #tpu.memory_space<vmem>>
        %dma_wait3A_88 = arith.constant 0 : i32
        %dma_wait3A_89 = arith.constant 0 : i32
        %dma_wait3A_90 = tpu.memref_slice %arg2[%dma_wait3A_88, %dma_wait3A_89] : memref<10240x128xf32, #tpu.memory_space<hbm>> -> memref<10240x128xf32, #tpu.memory_space<hbm>>
        tpu.wait_indirect_dma semaphore(%arg13 : memref<!tpu.dma_semaphore, #tpu.memory_space<semaphore_mem>>) src(%dma_wait3A_90 : memref<10240x128xf32, #tpu.memory_space<hbm>>) dst(%dma_wait3A_84 : memref<128x128xf32, #tpu.memory_space<vmem>>)
        %add3A_91 = arith.constant 1 : i32
        %add3A_92 = arith.addi %mul3A_54, %add3A_91 : i32
        %dma_start3A_93 = arith.constant 0 : i32
        %dma_start3A_94 = tpu.memref_slice %arg8[%add3A_92, %dma_start3A_93] : memref<40x128xi32, #tpu.memory_space<vmem>> -> memref<1x128xi32, #tpu.memory_space<vmem>>
        %dma_start3A_95 = tpu.memref_squeeze %dma_start3A_94 : memref<1x128xi32, #tpu.memory_space<vmem>> -> memref<128xi32, #tpu.memory_space<vmem>>
        %dma_start3A_96 = arith.constant 0 : i32
        %dma_start3A_97 = arith.constant 0 : i32
        %dma_start3A_98 = tpu.memref_slice %arg11[%dma_start3A_96, %dma_start3A_97] : memref<10240x128xf32, #tpu.memory_space<vmem_shared>> -> memref<10240x128xf32, #tpu.memory_space<vmem_shared>>
        tpu.enqueue_indirect_dma source(%arg10 : memref<128x128xf32, #tpu.memory_space<vmem>>) target(%dma_start3A_98 : memref<10240x128xf32, #tpu.memory_space<vmem_shared>>) offsets(%dma_start3A_95 : memref<128xi32, #tpu.memory_space<vmem>>) semaphore(%arg15 : memref<!tpu.dma_semaphore, #tpu.memory_space<semaphore_mem>>) {add = true}
        %dma_wait3A_99 = arith.constant 0 : i32
        %dma_wait3A_100 = tpu.memref_slice %arg8[%mul3A_54, %dma_wait3A_99] : memref<40x128xi32, #tpu.memory_space<vmem>> -> memref<1x128xi32, #tpu.memory_space<vmem>>
        %dma_wait3A_101 = tpu.memref_squeeze %dma_wait3A_100 : memref<1x128xi32, #tpu.memory_space<vmem>> -> memref<128xi32, #tpu.memory_space<vmem>>
        %dma_wait3A_102 = arith.constant 0 : i32
        %dma_wait3A_103 = arith.constant 0 : i32
        %dma_wait3A_104 = tpu.memref_slice %arg11[%dma_wait3A_102, %dma_wait3A_103] : memref<10240x128xf32, #tpu.memory_space<vmem_shared>> -> memref<10240x128xf32, #tpu.memory_space<vmem_shared>>
        tpu.wait_indirect_dma semaphore(%arg14 : memref<!tpu.dma_semaphore, #tpu.memory_space<semaphore_mem>>) src(%arg9 : memref<128x128xf32, #tpu.memory_space<vmem>>) dst(%dma_wait3A_104 : memref<10240x128xf32, #tpu.memory_space<vmem_shared>>)
        %add3A_105 = arith.constant 2 : i32
        %add3A_106 = arith.addi %mul3A_54, %add3A_105 : i32
        %lt3A = arith.constant 40 : i32
        %lt3A_107 = arith.cmpi slt, %add3A_106, %lt3A : i32
        %convert_element_type3A = arith.extui %lt3A_107 : i1 to i32
        %cond3A = arith.constant 0 : i32
        %cond3A_108 = arith.cmpi ne, %convert_element_type3A, %cond3A : i32
        scf.if %cond3A_108 {
          %add3A_118 = arith.constant 2 : i32
          %add3A_119 = arith.addi %mul3A_54, %add3A_118 : i32
          %dma_start3A_120 = arith.constant 0 : i32
          %dma_start3A_121 = arith.constant 0 : i32
          %dma_start3A_122 = tpu.memref_slice %arg9[%dma_start3A_120, %dma_start3A_121] : memref<128x128xf32, #tpu.memory_space<vmem>> -> memref<128x128xf32, #tpu.memory_space<vmem>>
          %dma_start3A_123 = arith.constant 0 : i32
          %dma_start3A_124 = tpu.memref_slice %arg7[%add3A_119, %dma_start3A_123] : memref<40x128xi32, #tpu.memory_space<vmem>> -> memref<1x128xi32, #tpu.memory_space<vmem>>
          %dma_start3A_125 = tpu.memref_squeeze %dma_start3A_124 : memref<1x128xi32, #tpu.memory_space<vmem>> -> memref<128xi32, #tpu.memory_space<vmem>>
          %dma_start3A_126 = arith.constant 0 : i32
          %dma_start3A_127 = arith.constant 0 : i32
          %dma_start3A_128 = tpu.memref_slice %arg2[%dma_start3A_126, %dma_start3A_127] : memref<10240x128xf32, #tpu.memory_space<hbm>> -> memref<10240x128xf32, #tpu.memory_space<hbm>>
          tpu.enqueue_indirect_dma source(%dma_start3A_128 : memref<10240x128xf32, #tpu.memory_space<hbm>>) target(%dma_start3A_122 : memref<128x128xf32, #tpu.memory_space<vmem>>) offsets(%dma_start3A_125 : memref<128xi32, #tpu.memory_space<vmem>>) semaphore(%arg12 : memref<!tpu.dma_semaphore, #tpu.memory_space<semaphore_mem>>)
        } else {
        }
        %add3A_109 = arith.constant 1 : i32
        %add3A_110 = arith.addi %mul3A_54, %add3A_109 : i32
        %dma_wait3A_111 = arith.constant 0 : i32
        %dma_wait3A_112 = tpu.memref_slice %arg8[%add3A_110, %dma_wait3A_111] : memref<40x128xi32, #tpu.memory_space<vmem>> -> memref<1x128xi32, #tpu.memory_space<vmem>>
        %dma_wait3A_113 = tpu.memref_squeeze %dma_wait3A_112 : memref<1x128xi32, #tpu.memory_space<vmem>> -> memref<128xi32, #tpu.memory_space<vmem>>
        %dma_wait3A_114 = arith.constant 0 : i32
        %dma_wait3A_115 = arith.constant 0 : i32
        %dma_wait3A_116 = tpu.memref_slice %arg11[%dma_wait3A_114, %dma_wait3A_115] : memref<10240x128xf32, #tpu.memory_space<vmem_shared>> -> memref<10240x128xf32, #tpu.memory_space<vmem_shared>>
        tpu.wait_indirect_dma semaphore(%arg15 : memref<!tpu.dma_semaphore, #tpu.memory_space<semaphore_mem>>) src(%arg10 : memref<128x128xf32, #tpu.memory_space<vmem>>) dst(%dma_wait3A_116 : memref<10240x128xf32, #tpu.memory_space<vmem_shared>>)
        %scan3A_117 = arith.constant 0 : i32
        scf.yield %scan3A_117 : i32
      }
      %scan3A_49 = arith.constant 20 : i32
      %while3A_50 = arith.constant 0 : i32
      scf.yield %while3A_50 : i32
    }
    %barrier3A_22 = arith.constant 0 : index
    tpu.barrier barrier_id(%barrier3A_22)
    %mul3A_23 = arith.constant 640 : i32
    %mul3A_24 = arith.muli %arg1, %mul3A_23 : i32
    %mul3A_25 = arith.constant 640 : i32
    %mul3A_26 = arith.muli %arg1, %mul3A_25 : i32
    "tpu.region"() ({
      %run_scoped3A = tpu.sem_alloc : memref<!tpu.dma_semaphore, #tpu.memory_space<semaphore_mem>>
      %dma_start3A = arith.constant 0 : i32
      %dma_start3A_27 = tpu.memref_slice %arg6[%arg0, %mul3A_26, %dma_start3A] : memref<2x10240x128xf32, #tpu.memory_space<hbm>> -> memref<1x640x128xf32, #tpu.memory_space<hbm>>
      %dma_start3A_28 = tpu.memref_squeeze %dma_start3A_27 : memref<1x640x128xf32, #tpu.memory_space<hbm>> -> memref<640x128xf32, #tpu.memory_space<hbm>>
      %dma_start3A_29 = arith.constant 0 : i32
      %dma_start3A_30 = tpu.memref_slice %arg11[%mul3A_24, %dma_start3A_29] : memref<10240x128xf32, #tpu.memory_space<vmem_shared>> -> memref<640x128xf32, #tpu.memory_space<vmem_shared>>
      tpu.enqueue_dma source(%dma_start3A_30 : memref<640x128xf32, #tpu.memory_space<vmem_shared>>) target(%dma_start3A_28 : memref<640x128xf32, #tpu.memory_space<hbm>>) target_semaphore(%run_scoped3A : memref<!tpu.dma_semaphore, #tpu.memory_space<semaphore_mem>>)
      %dma_wait3A = arith.constant 0 : i32
      %dma_wait3A_31 = tpu.memref_slice %arg6[%arg0, %mul3A_26, %dma_wait3A] : memref<2x10240x128xf32, #tpu.memory_space<hbm>> -> memref<1x640x128xf32, #tpu.memory_space<hbm>>
      %dma_wait3A_32 = tpu.memref_squeeze %dma_wait3A_31 : memref<1x640x128xf32, #tpu.memory_space<hbm>> -> memref<640x128xf32, #tpu.memory_space<hbm>>
      %dma_wait3A_33 = arith.constant 0 : i32
      %dma_wait3A_34 = tpu.memref_slice %arg11[%mul3A_24, %dma_wait3A_33] : memref<10240x128xf32, #tpu.memory_space<vmem_shared>> -> memref<640x128xf32, #tpu.memory_space<vmem_shared>>
      tpu.wait_dma2 semaphore(%run_scoped3A : memref<!tpu.dma_semaphore, #tpu.memory_space<semaphore_mem>>) src(%dma_wait3A_34 : memref<640x128xf32, #tpu.memory_space<vmem_shared>>) dst(%dma_wait3A_32 : memref<640x128xf32, #tpu.memory_space<hbm>>)
      tpu.yield
    }) : () -> ()
    return
  }
}

module attributes {stable_mosaic.version = 14 : i64} {
  func.func @_tc_layer_body(%arg0: i32, %arg1: memref<640x128xf32, #tpu.memory_space<vmem>>, %arg2: memref<640x128xf32, #tpu.memory_space<vmem>>, %arg3: memref<640x128xf32, #tpu.memory_space<vmem>>, %arg4: memref<640x32xf32, #tpu.memory_space<vmem>>, %arg5: memref<1x128xf32, #tpu.memory_space<vmem>>, %arg6: memref<128x128xf32, #tpu.memory_space<vmem>>, %arg7: memref<640x128xf32, #tpu.memory_space<vmem>>) attributes {dimension_semantics = [#tpu.dimension_semantics<arbitrary>], iteration_bounds = array<i64: 16>, scalar_prefetch = 0 : i64, scratch_operands = 0 : i64, tpu.core_type = #tpu.core_type<tc>, window_params = [{transform_indices = @transform_0, window_bounds = array<i64: 640, 128>}, {transform_indices = @transform_1, window_bounds = array<i64: 640, 128>}, {transform_indices = @transform_2, window_bounds = array<i64: 640, 128>}, {transform_indices = @transform_3, window_bounds = array<i64: 640, 32>}, {pipeline_mode = #tpu.pipeline_mode<synchronous>, transform_indices = @transform_4, window_bounds = array<i64: 1, 128>}, {pipeline_mode = #tpu.pipeline_mode<synchronous>, transform_indices = @transform_5, window_bounds = array<i64: 128, 128>}, {transform_indices = @transform_6, window_bounds = array<i64: 640, 128>}]} {
    %get3A = arith.constant 0 : index
    %get3A_0 = arith.constant 0 : index
    %get3A_1 = vector.load %arg4[%get3A, %get3A_0] : memref<640x32xf32, #tpu.memory_space<vmem>>, vector<640x32xf32>
    %reduce_sum3A = arith.constant dense<0.000000e+00> : vector<640xf32>
    %reduce_sum3A_2 = vector.multi_reduction <add>, %get3A_1, %reduce_sum3A [1] : vector<640x32xf32> to vector<640xf32>
    %broadcast_in_dim3A = vector.shape_cast %reduce_sum3A_2 : vector<640xf32> to vector<640x1xf32>
    %add3A = arith.constant 1.000000e+00 : f32
    %add3A_3 = vector.broadcast %add3A : f32 to vector<640x1xf32>
    %add3A_4 = arith.addf %broadcast_in_dim3A, %add3A_3 : vector<640x1xf32>
    %max3A = arith.constant 1.000000e+00 : f32
    %max3A_5 = vector.broadcast %max3A : f32 to vector<640x1xf32>
    %max3A_6 = arith.maximumf %add3A_4, %max3A_5 : vector<640x1xf32>
    %rsqrt3A = math.rsqrt %max3A_6 : vector<640x1xf32>
    %get3A_7 = arith.constant 0 : index
    %get3A_8 = arith.constant 0 : index
    %get3A_9 = vector.load %arg1[%get3A_7, %get3A_8] : memref<640x128xf32, #tpu.memory_space<vmem>>, vector<640x128xf32>
    %get3A_10 = arith.constant 0 : index
    %get3A_11 = arith.constant 0 : index
    %get3A_12 = vector.load %arg2[%get3A_10, %get3A_11] : memref<640x128xf32, #tpu.memory_space<vmem>>, vector<640x128xf32>
    %add3A_13 = arith.addf %get3A_9, %get3A_12 : vector<640x128xf32>
    %get3A_14 = arith.constant 0 : index
    %get3A_15 = arith.constant 0 : index
    %get3A_16 = vector.load %arg3[%get3A_14, %get3A_15] : memref<640x128xf32, #tpu.memory_space<vmem>>, vector<640x128xf32>
    %add3A_17 = arith.addf %add3A_13, %get3A_16 : vector<640x128xf32>
    %mul3A = vector.broadcast %rsqrt3A : vector<640x1xf32> to vector<640x128xf32>
    %mul3A_18 = arith.mulf %mul3A, %add3A_17 : vector<640x128xf32>
    %get3A_19 = arith.constant 0 : index
    %get3A_20 = arith.constant 0 : index
    %get3A_21 = vector.load %arg5[%get3A_19, %get3A_20] : memref<1x128xf32, #tpu.memory_space<vmem>>, vector<1x128xf32>
    %add3A_22 = vector.broadcast %get3A_21 : vector<1x128xf32> to vector<640x128xf32>
    %add3A_23 = arith.addf %mul3A_18, %add3A_22 : vector<640x128xf32>
    %max3A_24 = arith.constant 0.000000e+00 : f32
    %max3A_25 = vector.broadcast %max3A_24 : f32 to vector<640x128xf32>
    %max3A_26 = arith.maximumf %add3A_23, %max3A_25 : vector<640x128xf32>
    %mul3A_27 = arith.constant 640 : i32
    %mul3A_28 = arith.muli %arg0, %mul3A_27 : i32
    %iota3A = tpu.iota {dimensions = array<i32: 0>} : vector<640x1xi32>
    %add3A_29 = vector.broadcast %mul3A_28 : i32 to vector<640x1xi32>
    %add3A_30 = arith.addi %add3A_29, %iota3A : vector<640x1xi32>
    %lt3A = arith.constant 10000 : i32
    %lt3A_31 = vector.broadcast %lt3A : i32 to vector<640x1xi32>
    %lt3A_32 = arith.cmpi slt, %add3A_30, %lt3A_31 : vector<640x1xi32>
    %jit3A = arith.constant 0.000000e+00 : f32
    %broadcast_in_dim3A_33 = vector.shape_cast %lt3A_32 : vector<640x1xi1> to vector<640x1xi1>
    %broadcast_in_dim3A_34 = vector.broadcast %broadcast_in_dim3A_33 : vector<640x1xi1> to vector<640x128xi1>
    %broadcast_in_dim3A_35 = vector.broadcast %jit3A : f32 to vector<640x128xf32>
    %select_n3A = arith.select %broadcast_in_dim3A_34, %max3A_26, %broadcast_in_dim3A_35 : vector<640x128xi1>, vector<640x128xf32>
    %get3A_36 = arith.constant 0 : index
    %get3A_37 = arith.constant 0 : index
    %get3A_38 = vector.load %arg6[%get3A_36, %get3A_37] : memref<128x128xf32, #tpu.memory_space<vmem>>, vector<128x128xf32>
    %dot_general3A = arith.constant dense<0.000000e+00> : vector<640x128xf32>
    %dot_general3A_39 = tpu.matmul %select_n3A, %get3A_38, %dot_general3A {dimension_numbers = #tpu.dot_dimension_numbers<[1], [0], [0], [1], [0, 0, 1, 1], [], []>, transpose_lhs_hint = false} : vector<640x128xf32>, vector<128x128xf32>, vector<640x128xf32> -> vector<640x128xf32>
    %mul3A_40 = vector.broadcast %rsqrt3A : vector<640x1xf32> to vector<640x128xf32>
    %mul3A_41 = arith.mulf %dot_general3A_39, %mul3A_40 : vector<640x128xf32>
    %swap3A = arith.constant 0 : index
    %swap3A_42 = arith.constant 0 : index
    %swap3A_43 = vector.load %arg7[%swap3A, %swap3A_42] : memref<640x128xf32, #tpu.memory_space<vmem>>, vector<640x128xf32>
    tpu.vector_store %arg7[%swap3A, %swap3A_42], %mul3A_41 {strides = array<i32>} : memref<640x128xf32, #tpu.memory_space<vmem>>, vector<640x128xf32>,
    return
  }
  func.func @transform_0(%arg0: i32) -> (i32, i32) {
    %c0_i32 = arith.constant 0 : i32
    %c0_i32_0 = arith.constant 0 : i32
    return %arg0, %c0_i32 : i32, i32
  }
  func.func @transform_1(%arg0: i32) -> (i32, i32) {
    %c0_i32 = arith.constant 0 : i32
    %c0_i32_0 = arith.constant 0 : i32
    return %arg0, %c0_i32 : i32, i32
  }
  func.func @transform_2(%arg0: i32) -> (i32, i32) {
    %c0_i32 = arith.constant 0 : i32
    %c0_i32_0 = arith.constant 0 : i32
    return %arg0, %c0_i32 : i32, i32
  }
  func.func @transform_3(%arg0: i32) -> (i32, i32) {
    %c0_i32 = arith.constant 0 : i32
    %c0_i32_0 = arith.constant 0 : i32
    return %arg0, %c0_i32 : i32, i32
  }
  func.func @transform_4(%arg0: i32) -> (i32, i32) {
    %c0_i32 = arith.constant 0 : i32
    %c0_i32_0 = arith.constant 0 : i32
    %c0_i32_1 = arith.constant 0 : i32
    return %c0_i32, %c0_i32_0 : i32, i32
  }
  func.func @transform_5(%arg0: i32) -> (i32, i32) {
    %c0_i32 = arith.constant 0 : i32
    %c0_i32_0 = arith.constant 0 : i32
    %c0_i32_1 = arith.constant 0 : i32
    return %c0_i32, %c0_i32_0 : i32, i32
  }
  func.func @transform_6(%arg0: i32) -> (i32, i32) {
    %c0_i32 = arith.constant 0 : i32
    %c0_i32_0 = arith.constant 0 : i32
    return %arg0, %c0_i32 : i32, i32
  }
}

module attributes {stable_mosaic.version = 14 : i64} {
  func.func @_tc_scale_mm_body(%arg0: i32, %arg1: memref<640x128xf32, #tpu.memory_space<vmem>>, %arg2: memref<128x128xf32, #tpu.memory_space<vmem>>, %arg3: memref<640x32xf32, #tpu.memory_space<vmem>>, %arg4: memref<640x128xf32, #tpu.memory_space<vmem>>) attributes {dimension_semantics = [#tpu.dimension_semantics<arbitrary>], iteration_bounds = array<i64: 16>, scalar_prefetch = 0 : i64, scratch_operands = 0 : i64, tpu.core_type = #tpu.core_type<tc>, window_params = [{transform_indices = @transform_0, window_bounds = array<i64: 640, 128>}, {pipeline_mode = #tpu.pipeline_mode<synchronous>, transform_indices = @transform_1, window_bounds = array<i64: 128, 128>}, {transform_indices = @transform_2, window_bounds = array<i64: 640, 32>}, {transform_indices = @transform_3, window_bounds = array<i64: 640, 128>}]} {
    %get3A = arith.constant 0 : index
    %get3A_0 = arith.constant 0 : index
    %get3A_1 = vector.load %arg3[%get3A, %get3A_0] : memref<640x32xf32, #tpu.memory_space<vmem>>, vector<640x32xf32>
    %reduce_sum3A = arith.constant dense<0.000000e+00> : vector<640xf32>
    %reduce_sum3A_2 = vector.multi_reduction <add>, %get3A_1, %reduce_sum3A [1] : vector<640x32xf32> to vector<640xf32>
    %broadcast_in_dim3A = vector.shape_cast %reduce_sum3A_2 : vector<640xf32> to vector<640x1xf32>
    %add3A = arith.constant 1.000000e+00 : f32
    %add3A_3 = vector.broadcast %add3A : f32 to vector<640x1xf32>
    %add3A_4 = arith.addf %broadcast_in_dim3A, %add3A_3 : vector<640x1xf32>
    %max3A = arith.constant 1.000000e+00 : f32
    %max3A_5 = vector.broadcast %max3A : f32 to vector<640x1xf32>
    %max3A_6 = arith.maximumf %add3A_4, %max3A_5 : vector<640x1xf32>
    %rsqrt3A = math.rsqrt %max3A_6 : vector<640x1xf32>
    %get3A_7 = arith.constant 0 : index
    %get3A_8 = arith.constant 0 : index
    %get3A_9 = vector.load %arg1[%get3A_7, %get3A_8] : memref<640x128xf32, #tpu.memory_space<vmem>>, vector<640x128xf32>
    %get3A_10 = arith.constant 0 : index
    %get3A_11 = arith.constant 0 : index
    %get3A_12 = vector.load %arg2[%get3A_10, %get3A_11] : memref<128x128xf32, #tpu.memory_space<vmem>>, vector<128x128xf32>
    %dot_general3A = arith.constant dense<0.000000e+00> : vector<640x128xf32>
    %dot_general3A_13 = tpu.matmul %get3A_9, %get3A_12, %dot_general3A {dimension_numbers = #tpu.dot_dimension_numbers<[1], [0], [0], [1], [0, 0, 1, 1], [], []>, transpose_lhs_hint = false} : vector<640x128xf32>, vector<128x128xf32>, vector<640x128xf32> -> vector<640x128xf32>
    %mul3A = vector.broadcast %rsqrt3A : vector<640x1xf32> to vector<640x128xf32>
    %mul3A_14 = arith.mulf %dot_general3A_13, %mul3A : vector<640x128xf32>
    %swap3A = arith.constant 0 : index
    %swap3A_15 = arith.constant 0 : index
    %swap3A_16 = vector.load %arg4[%swap3A, %swap3A_15] : memref<640x128xf32, #tpu.memory_space<vmem>>, vector<640x128xf32>
    tpu.vector_store %arg4[%swap3A, %swap3A_15], %mul3A_14 {strides = array<i32>} : memref<640x128xf32, #tpu.memory_space<vmem>>, vector<640x128xf32>,
    return
  }
  func.func @transform_0(%arg0: i32) -> (i32, i32) {
    %c0_i32 = arith.constant 0 : i32
    %c0_i32_0 = arith.constant 0 : i32
    return %arg0, %c0_i32 : i32, i32
  }
  func.func @transform_1(%arg0: i32) -> (i32, i32) {
    %c0_i32 = arith.constant 0 : i32
    %c0_i32_0 = arith.constant 0 : i32
    %c0_i32_1 = arith.constant 0 : i32
    return %c0_i32, %c0_i32_0 : i32, i32
  }
  func.func @transform_2(%arg0: i32) -> (i32, i32) {
    %c0_i32 = arith.constant 0 : i32
    %c0_i32_0 = arith.constant 0 : i32
    return %arg0, %c0_i32 : i32, i32
  }
  func.func @transform_3(%arg0: i32) -> (i32, i32) {
    %c0_i32 = arith.constant 0 : i32
    %c0_i32_0 = arith.constant 0 : i32
    return %arg0, %c0_i32 : i32, i32
  }
}

module attributes {stable_mosaic.version = 14 : i64} {
  func.func @_tc_pool_body(%arg0: i32, %arg1: memref<640x128xf32, #tpu.memory_space<vmem>>, %arg2: memref<640x128xf32, #tpu.memory_space<vmem>>, %arg3: memref<640x128xf32, #tpu.memory_space<vmem>>, %arg4: memref<640x32xf32, #tpu.memory_space<vmem>>, %arg5: memref<1x128xf32, #tpu.memory_space<vmem>>, %arg6: memref<1x1x640xi32, #tpu.memory_space<vmem>>, %arg7: memref<128x128xf32, #tpu.memory_space<vmem>>, %arg8: memref<1x128xf32, #tpu.memory_space<vmem>>, %arg9: memref<64x128xf32, #tpu.memory_space<vmem>>, %arg10: memref<64x128xf32, #tpu.memory_space<vmem>>, %arg11: memref<64x1xf32, #tpu.memory_space<vmem>>) attributes {dimension_semantics = [#tpu.dimension_semantics<arbitrary>], iteration_bounds = array<i64: 16>, scalar_prefetch = 0 : i64, scratch_operands = 2 : i64, tpu.core_type = #tpu.core_type<tc>, window_params = [{transform_indices = @transform_0, window_bounds = array<i64: 640, 128>}, {transform_indices = @transform_1, window_bounds = array<i64: 640, 128>}, {transform_indices = @transform_2, window_bounds = array<i64: 640, 128>}, {transform_indices = @transform_3, window_bounds = array<i64: 640, 32>}, {pipeline_mode = #tpu.pipeline_mode<synchronous>, transform_indices = @transform_4, window_bounds = array<i64: 1, 128>}, {transform_indices = @transform_5, window_bounds = array<i64: 1, 1, 640>}, {pipeline_mode = #tpu.pipeline_mode<synchronous>, transform_indices = @transform_6, window_bounds = array<i64: 128, 128>}, {pipeline_mode = #tpu.pipeline_mode<synchronous>, transform_indices = @transform_7, window_bounds = array<i64: 1, 128>}, {pipeline_mode = #tpu.pipeline_mode<synchronous>, transform_indices = @transform_8, window_bounds = array<i64: 64, 128>}]} {
    %eq3A = arith.constant 0 : i32
    %eq3A_0 = arith.cmpi eq, %arg0, %eq3A : i32
    %convert_element_type3A = arith.extui %eq3A_0 : i1 to i32
    %cond3A = arith.constant 0 : i32
    %cond3A_1 = arith.cmpi ne, %convert_element_type3A, %cond3A : i32
    scf.if %cond3A_1 {
      %broadcast_in_dim3A_59 = arith.constant 0.000000e+00 : f32
      %broadcast_in_dim3A_60 = vector.broadcast %broadcast_in_dim3A_59 : f32 to vector<64x128xf32>
      %swap3A_61 = arith.constant 0 : index
      %swap3A_62 = arith.constant 0 : index
      %swap3A_63 = vector.load %arg10[%swap3A_61, %swap3A_62] : memref<64x128xf32, #tpu.memory_space<vmem>>, vector<64x128xf32>
      tpu.vector_store %arg10[%swap3A_61, %swap3A_62], %broadcast_in_dim3A_60 {strides = array<i32>} : memref<64x128xf32, #tpu.memory_space<vmem>>, vector<64x128xf32>,
      %broadcast_in_dim3A_64 = arith.constant 0.000000e+00 : f32
      %broadcast_in_dim3A_65 = vector.broadcast %broadcast_in_dim3A_64 : f32 to vector<64x1xf32>
      %swap3A_66 = arith.constant 0 : index
      %swap3A_67 = arith.constant 0 : index
      %swap3A_68 = vector.load %arg11[%swap3A_66, %swap3A_67] : memref<64x1xf32, #tpu.memory_space<vmem>>, vector<64x1xf32>
      tpu.vector_store %arg11[%swap3A_66, %swap3A_67], %broadcast_in_dim3A_65 {strides = array<i32>} : memref<64x1xf32, #tpu.memory_space<vmem>>, vector<64x1xf32>,
    } else {
    }
    %get3A = arith.constant 0 : index
    %get3A_2 = arith.constant 0 : index
    %get3A_3 = vector.load %arg4[%get3A, %get3A_2] : memref<640x32xf32, #tpu.memory_space<vmem>>, vector<640x32xf32>
    %reduce_sum3A = arith.constant dense<0.000000e+00> : vector<640xf32>
    %reduce_sum3A_4 = vector.multi_reduction <add>, %get3A_3, %reduce_sum3A [1] : vector<640x32xf32> to vector<640xf32>
    %broadcast_in_dim3A = vector.shape_cast %reduce_sum3A_4 : vector<640xf32> to vector<640x1xf32>
    %add3A = arith.constant 1.000000e+00 : f32
    %add3A_5 = vector.broadcast %add3A : f32 to vector<640x1xf32>
    %add3A_6 = arith.addf %broadcast_in_dim3A, %add3A_5 : vector<640x1xf32>
    %max3A = arith.constant 1.000000e+00 : f32
    %max3A_7 = vector.broadcast %max3A : f32 to vector<640x1xf32>
    %max3A_8 = arith.maximumf %add3A_6, %max3A_7 : vector<640x1xf32>
    %rsqrt3A = math.rsqrt %max3A_8 : vector<640x1xf32>
    %get3A_9 = arith.constant 0 : index
    %get3A_10 = arith.constant 0 : index
    %get3A_11 = vector.load %arg1[%get3A_9, %get3A_10] : memref<640x128xf32, #tpu.memory_space<vmem>>, vector<640x128xf32>
    %get3A_12 = arith.constant 0 : index
    %get3A_13 = arith.constant 0 : index
    %get3A_14 = vector.load %arg2[%get3A_12, %get3A_13] : memref<640x128xf32, #tpu.memory_space<vmem>>, vector<640x128xf32>
    %add3A_15 = arith.addf %get3A_11, %get3A_14 : vector<640x128xf32>
    %get3A_16 = arith.constant 0 : index
    %get3A_17 = arith.constant 0 : index
    %get3A_18 = vector.load %arg3[%get3A_16, %get3A_17] : memref<640x128xf32, #tpu.memory_space<vmem>>, vector<640x128xf32>
    %add3A_19 = arith.addf %add3A_15, %get3A_18 : vector<640x128xf32>
    %mul3A = vector.broadcast %rsqrt3A : vector<640x1xf32> to vector<640x128xf32>
    %mul3A_20 = arith.mulf %mul3A, %add3A_19 : vector<640x128xf32>
    %get3A_21 = arith.constant 0 : index
    %get3A_22 = arith.constant 0 : index
    %get3A_23 = vector.load %arg5[%get3A_21, %get3A_22] : memref<1x128xf32, #tpu.memory_space<vmem>>, vector<1x128xf32>
    %add3A_24 = vector.broadcast %get3A_23 : vector<1x128xf32> to vector<640x128xf32>
    %add3A_25 = arith.addf %mul3A_20, %add3A_24 : vector<640x128xf32>
    %max3A_26 = arith.constant 0.000000e+00 : f32
    %max3A_27 = vector.broadcast %max3A_26 : f32 to vector<640x128xf32>
    %max3A_28 = arith.maximumf %add3A_25, %max3A_27 : vector<640x128xf32>
    %get3A_29 = arith.constant 0 : index
    %get3A_30 = arith.constant 0 : index
    %get3A_31 = arith.constant 0 : index
    %get3A_32 = vector.load %arg6[%get3A_29, %get3A_30, %get3A_31] : memref<1x1x640xi32, #tpu.memory_space<vmem>>, vector<1x1x640xi32>
    %reshape3A = vector.shape_cast %get3A_32 : vector<1x1x640xi32> to vector<1x640xi32>
    %iota3A = tpu.iota {dimensions = array<i32: 0>} : vector<64x640xi32>
    %eq3A_33 = vector.broadcast %reshape3A : vector<1x640xi32> to vector<64x640xi32>
    %eq3A_34 = arith.cmpi eq, %iota3A, %eq3A_33 : vector<64x640xi32>
    %convert_element_type3A_35 = arith.extui %eq3A_34 : vector<64x640xi1> to vector<64x640xi32>
    %convert_element_type3A_36 = arith.sitofp %convert_element_type3A_35 : vector<64x640xi32> to vector<64x640xf32>
    %get3A_37 = arith.constant 0 : index
    %get3A_38 = arith.constant 0 : index
    %get3A_39 = vector.load %arg10[%get3A_37, %get3A_38] : memref<64x128xf32, #tpu.memory_space<vmem>>, vector<64x128xf32>
    %dot_general3A = arith.constant dense<0.000000e+00> : vector<64x128xf32>
    %dot_general3A_40 = tpu.matmul %convert_element_type3A_36, %max3A_28, %dot_general3A {dimension_numbers = #tpu.dot_dimension_numbers<[1], [0], [0], [1], [0, 0, 1, 1], [], []>, transpose_lhs_hint = false} : vector<64x640xf32>, vector<640x128xf32>, vector<64x128xf32> -> vector<64x128xf32>
    %add3A_41 = arith.addf %get3A_39, %dot_general3A_40 : vector<64x128xf32>
    %swap3A = arith.constant 0 : index
    %swap3A_42 = arith.constant 0 : index
    %swap3A_43 = vector.load %arg10[%swap3A, %swap3A_42] : memref<64x128xf32, #tpu.memory_space<vmem>>, vector<64x128xf32>
    tpu.vector_store %arg10[%swap3A, %swap3A_42], %add3A_41 {strides = array<i32>} : memref<64x128xf32, #tpu.memory_space<vmem>>, vector<64x128xf32>,
    %get3A_44 = arith.constant 0 : index
    %get3A_45 = arith.constant 0 : index
    %get3A_46 = vector.load %arg11[%get3A_44, %get3A_45] : memref<64x1xf32, #tpu.memory_space<vmem>>, vector<64x1xf32>
    %reduce_sum3A_47 = arith.constant dense<0.000000e+00> : vector<64xf32>
    %reduce_sum3A_48 = vector.multi_reduction <add>, %convert_element_type3A_36, %reduce_sum3A_47 [1] : vector<64x640xf32> to vector<64xf32>
    %broadcast_in_dim3A_49 = vector.shape_cast %reduce_sum3A_48 : vector<64xf32> to vector<64x1xf32>
    %add3A_50 = arith.addf %get3A_46, %broadcast_in_dim3A_49 : vector<64x1xf32>
    %swap3A_51 = arith.constant 0 : index
    %swap3A_52 = arith.constant 0 : index
    %swap3A_53 = vector.load %arg11[%swap3A_51, %swap3A_52] : memref<64x1xf32, #tpu.memory_space<vmem>>, vector<64x1xf32>
    tpu.vector_store %arg11[%swap3A_51, %swap3A_52], %add3A_50 {strides = array<i32>} : memref<64x1xf32, #tpu.memory_space<vmem>>, vector<64x1xf32>,
    %eq3A_54 = arith.constant 15 : i32
    %eq3A_55 = arith.cmpi eq, %arg0, %eq3A_54 : i32
    %convert_element_type3A_56 = arith.extui %eq3A_55 : i1 to i32
    %cond3A_57 = arith.constant 0 : i32
    %cond3A_58 = arith.cmpi ne, %convert_element_type3A_56, %cond3A_57 : i32
    scf.if %cond3A_58 {
      %get3A_59 = arith.constant 0 : index
      %get3A_60 = arith.constant 0 : index
      %get3A_61 = vector.load %arg10[%get3A_59, %get3A_60] : memref<64x128xf32, #tpu.memory_space<vmem>>, vector<64x128xf32>
      %get3A_62 = arith.constant 0 : index
      %get3A_63 = arith.constant 0 : index
      %get3A_64 = vector.load %arg11[%get3A_62, %get3A_63] : memref<64x1xf32, #tpu.memory_space<vmem>>, vector<64x1xf32>
      %max3A_65 = arith.constant 1.000000e+00 : f32
      %max3A_66 = vector.broadcast %max3A_65 : f32 to vector<64x1xf32>
      %max3A_67 = arith.maximumf %get3A_64, %max3A_66 : vector<64x1xf32>
      %div3A = vector.broadcast %max3A_67 : vector<64x1xf32> to vector<64x128xf32>
      %div3A_68 = arith.divf %get3A_61, %div3A : vector<64x128xf32>
      %get3A_69 = arith.constant 0 : index
      %get3A_70 = arith.constant 0 : index
      %get3A_71 = vector.load %arg7[%get3A_69, %get3A_70] : memref<128x128xf32, #tpu.memory_space<vmem>>, vector<128x128xf32>
      %dot_general3A_72 = arith.constant dense<0.000000e+00> : vector<64x128xf32>
      %dot_general3A_73 = tpu.matmul %div3A_68, %get3A_71, %dot_general3A_72 {dimension_numbers = #tpu.dot_dimension_numbers<[1], [0], [0], [1], [0, 0, 1, 1], [], []>, transpose_lhs_hint = false} : vector<64x128xf32>, vector<128x128xf32>, vector<64x128xf32> -> vector<64x128xf32>
      %get3A_74 = arith.constant 0 : index
      %get3A_75 = arith.constant 0 : index
      %get3A_76 = vector.load %arg8[%get3A_74, %get3A_75] : memref<1x128xf32, #tpu.memory_space<vmem>>, vector<1x128xf32>
      %add3A_77 = vector.broadcast %get3A_76 : vector<1x128xf32> to vector<64x128xf32>
      %add3A_78 = arith.addf %dot_general3A_73, %add3A_77 : vector<64x128xf32>
      %swap3A_79 = arith.constant 0 : index
      %swap3A_80 = arith.constant 0 : index
      %swap3A_81 = vector.load %arg9[%swap3A_79, %swap3A_80] : memref<64x128xf32, #tpu.memory_space<vmem>>, vector<64x128xf32>
      tpu.vector_store %arg9[%swap3A_79, %swap3A_80], %add3A_78 {strides = array<i32>} : memref<64x128xf32, #tpu.memory_space<vmem>>, vector<64x128xf32>,
    } else {
    }
    return
  }
  func.func @transform_0(%arg0: i32) -> (i32, i32) {
    %c0_i32 = arith.constant 0 : i32
    %c0_i32_0 = arith.constant 0 : i32
    return %arg0, %c0_i32 : i32, i32
  }
  func.func @transform_1(%arg0: i32) -> (i32, i32) {
    %c0_i32 = arith.constant 0 : i32
    %c0_i32_0 = arith.constant 0 : i32
    return %arg0, %c0_i32 : i32, i32
  }
  func.func @transform_2(%arg0: i32) -> (i32, i32) {
    %c0_i32 = arith.constant 0 : i32
    %c0_i32_0 = arith.constant 0 : i32
    return %arg0, %c0_i32 : i32, i32
  }
  func.func @transform_3(%arg0: i32) -> (i32, i32) {
    %c0_i32 = arith.constant 0 : i32
    %c0_i32_0 = arith.constant 0 : i32
    return %arg0, %c0_i32 : i32, i32
  }
  func.func @transform_4(%arg0: i32) -> (i32, i32) {
    %c0_i32 = arith.constant 0 : i32
    %c0_i32_0 = arith.constant 0 : i32
    %c0_i32_1 = arith.constant 0 : i32
    return %c0_i32, %c0_i32_0 : i32, i32
  }
  func.func @transform_5(%arg0: i32) -> (i32, i32, i32) {
    %c0_i32 = arith.constant 0 : i32
    %c0_i32_0 = arith.constant 0 : i32
    %c0_i32_1 = arith.constant 0 : i32
    return %arg0, %c0_i32, %c0_i32_0 : i32, i32, i32
  }
  func.func @transform_6(%arg0: i32) -> (i32, i32) {
    %c0_i32 = arith.constant 0 : i32
    %c0_i32_0 = arith.constant 0 : i32
    %c0_i32_1 = arith.constant 0 : i32
    return %c0_i32, %c0_i32_0 : i32, i32
  }
  func.func @transform_7(%arg0: i32) -> (i32, i32) {
    %c0_i32 = arith.constant 0 : i32
    %c0_i32_0 = arith.constant 0 : i32
    %c0_i32_1 = arith.constant 0 : i32
    return %c0_i32, %c0_i32_0 : i32, i32
  }
  func.func @transform_8(%arg0: i32) -> (i32, i32) {
    %c0_i32 = arith.constant 0 : i32
    %c0_i32_0 = arith.constant 0 : i32
    %c0_i32_1 = arith.constant 0 : i32
    return %c0_i32, %c0_i32_0 : i32, i32
  }
}

</mosaic_0001>

<sc_bundles>
// kernel: _run.11.cloned.1.call-start
scs
__scs_entry_jumppad:
0x0: {  	(pc) =	sbr.rel $0x88, $3  }
0x1: {  	(tag) =	ssettag $0x0;
	lr =	simm.s32 $0x1  }
0x2: {  	[smem:$0x3F98] =	sst lr;
	_ =	strace $0xD0000000  }
0x3: {  	_ = 	snop  }
0x4: {  	_ = 	snop  }
0x5: {  	_ = 	snop  }
0x6: {  	_ = 	snop  }
0x7: {  	_ = 	snop  }
__scs_overlays_trampoline_lowered:
0x8: {  	[smem:$0x3FA7] =	sst s0  }
0x9: {  	[smem:$0x3FA8] =	sst s1  }
0xa: {  	[smem:$0x3FA9] =	sst s2  }
0xb: {  	[smem:$0x3FAA] =	sst s3  }
0xc: {  	[smem:$0x3FAB] =	sst s4  }
0xd: {  	[smem:$0x3FAC] =	sst s5  }
0xe: {  	[smem:$0x3FAD] =	sst s6  }
0xf: {  	[smem:$0x3FAE] =	sst s7  }
0x10: {  	[smem:$0x3FAF] =	sst s8  }
0x11: {  	[smem:$0x3FB0] =	sst s9;
	s0 =	simm.s32 @!p0 $0x0  }
0x12: {  	s1 =	sld [smem:$0x3F96];
	s0 =	simm.s32 @p0 $0x1  }
0x13: {  	[smem:$0x3FB1] =	sst s0;
	s0 =	simm.s32 @!p1 $0x0  }
0x14: {  	s2 =	sld [smem:$0x3F95];
	s0 =	simm.s32 @p1 $0x1  }
0x15: {  	[smem:$0x3FB2] =	sst s0;
	s0 =	simm.s32 @!p2 $0x0  }
0x16: {  	s3 =	sld [smem:$0x3FDB];
	s0 =	simm.s32 @p2 $0x1  }
0x17: {  	s4 =	simm.s32 $0x1BF5;
	[smem:$0x3FB4] =	sst s0  }
0x18: {  	s0 =	sld [smem:$0x3F97];
	_ =	swait.ge [sflag:s4], $0x0  }
0x19: {  	s7 =	sld [smem:$0x3F98]  }
0x1a: {  	s8 =	sadd.s32 $0xFFFFE003, lr  }
0x1b: {  	s9 =	sadd.s32 $0xFFFFFEF7, lr;
	s5 =	simm.s32 $0xFFFFFFFF;
	p2 =	slt.u32 s8, $0xFFFFF086  }
0x1c: {  	p1 =	slt.u32 s9, $0xF7A;
	s5 =	simm.s32 @!p2 $0x0  }
0x1d: {  	s5 =	simm.s32 @p1 $0x1;
	p0 =	seq.s32 s7, s2  }
0x1e: {  	s7 =	smul.u32 @!p0 $0xF7A, s2;
	p2 =	seq.s32 @!p0 s5, $0x0  }
0x1f: {  	s9 =	smul.u32 $0xF7A, s1;
	s8 =	simm.s32 @!p0 $0x1BF5;
	p2 =	por !p2, p0  }
0x20: {  	[sflag:s8] =	ssyncset.s32 @!p0 $0xFFFFF086;
	s6 =	sadd.s32 @!p0 s3, s7;
	s7 =	simm.s32 @!p0 $0x108  }
0x21: {  	s3 =	sadd.s32 s3, s9;
	s6 =	sadd.s32 @!p0 $0x88, s6;
	s7 =	simm.s32 @p2 $0x1082  }
0x22: {  	[simem:s7], [sflag:s8] =	dma.local @!p0 [hbm:s6], $0xF7A  }
0x23: {  	s9 =	sor.u32 $0xD0000000, s2;
	s6 =	simm.s32 $0x108;
	_ =	swait.ge @!p0 [sflag:s8], $0x0  }
0x24: {  	s3 =	sadd.s32 $0x88, s3;
	s6 =	simm.s32 @!p1 $0x1082;
	[sflag:s4] =	ssyncset.s32 $0xFFFFF086  }
0x25: {  	[simem:s6], [sflag:s4] =	dma.local [hbm:s3], $0xF7A  }
0x26: {  	[smem:$0x3F98] =	sst s1;
	(tag) =	ssettag s2;
	_ =	strace s9  }
0x27: {  	s1 =	sld [smem:$0x3FA8]  }
0x28: {  	s2 =	sld [smem:$0x3FA9]  }
0x29: {  	s4 =	sld [smem:$0x3FAB]  }
0x2a: {  	p0 =	seq.s32 s5, $0x0;
	s5 =	sld [smem:$0x3FAC]  }
0x2b: {  	s6 =	sld [smem:$0x3FAD]  }
0x2c: {  	s7 =	sld [smem:$0x3FAE]  }
0x2d: {  	s3 =	simm.s32 $0x108;
	s8 =	sld [smem:$0x3FAF]  }
0x2e: {  	s3 =	simm.s32 @!p0 $0x1082;
	s9 =	sld [smem:$0x3FB0]  }
0x2f: {  	lr =	sadd.s32 s0, s3;
	s0 =	sld [smem:$0x3FA7]  }
0x30: {  	s3 =	sld [smem:$0x3FAA]  }
0x31: {  	[smem:$0x3FB3] =	sst s10  }
0x32: {  	s10 =	sld [smem:$0x3FB1];
	_ =	sdelay $0x3  }
0x33: {  	p0 =	seq.s32 s10, $0x1;
	s10 =	sld [smem:$0x3FB3];
	_ =	sdelay $0x3  }
0x34: {  	[smem:$0x3FB3] =	sst s10  }
0x35: {  	s10 =	sld [smem:$0x3FB2];
	_ =	sdelay $0x3  }
0x36: {  	p1 =	seq.s32 s10, $0x1;
	s10 =	sld [smem:$0x3FB3];
	_ =	sdelay $0x3  }
0x37: {  	[smem:$0x3FB3] =	sst s10  }
0x38: {  	s10 =	sld [smem:$0x3FB4]  }
0x39: {  	_ = 	snop;
	(pc) =	sbr.ind lr, $3  }
0x3a: {  	_ = 	snop  }
0x3b: {  	_ = 	snop  }
0x3c: {  	p2 =	seq.s32 s10, $0x1;
	s10 =	sld [smem:$0x3FB3]  }
0x3d: {  	_ =	shalt  }
0x3e: {  	_ =	shalt  }
0x3f: {  	_ =	shalt  }
0x40: {  	_ =	shalt  }
0x41: {  	_ =	shalt  }
0x42: {  	_ =	shalt  }
0x43: {  	_ =	shalt  }
0x44: {  	_ =	shalt  }
0x45: {  	_ =	shalt  }
0x46: {  	_ =	shalt  }
0x47: {  	_ =	shalt  }
0x48: {  	_ =	shalt  }
0x49: {  	_ =	shalt  }
0x4a: {  	_ =	shalt  }
0x4b: {  	_ =	shalt  }
0x4c: {  	_ =	shalt  }
0x4d: {  	_ =	shalt  }
0x4e: {  	_ =	shalt  }
0x4f: {  	_ =	shalt  }
0x50: {  	_ =	shalt  }
0x51: {  	_ =	shalt  }
0x52: {  	_ =	shalt  }
0x53: {  	_ =	shalt  }
0x54: {  	_ =	shalt  }
0x55: {  	_ =	shalt  }
0x56: {  	_ =	shalt  }
0x57: {  	_ =	shalt  }
0x58: {  	_ =	shalt  }
0x59: {  	_ =	shalt  }
0x5a: {  	_ =	shalt  }
0x5b: {  	_ =	shalt  }
0x5c: {  	_ =	shalt  }
0x5d: {  	_ =	shalt  }
0x5e: {  	_ =	shalt  }
0x5f: {  	_ =	shalt  }
0x60: {  	_ =	shalt  }
0x61: {  	_ =	shalt  }
0x62: {  	_ =	shalt  }
0x63: {  	_ =	shalt  }
0x64: {  	_ =	shalt  }
0x65: {  	_ =	shalt  }
0x66: {  	_ =	shalt  }
0x67: {  	_ =	shalt  }
0x68: {  	_ =	shalt  }
0x69: {  	_ =	shalt  }
0x6a: {  	_ =	shalt  }
0x6b: {  	_ =	shalt  }
0x6c: {  	_ =	shalt  }
0x6d: {  	_ =	shalt  }
0x6e: {  	_ =	shalt  }
0x6f: {  	_ =	shalt  }
0x70: {  	_ =	shalt  }
0x71: {  	_ =	shalt  }
0x72: {  	_ =	shalt  }
0x73: {  	_ =	shalt  }
0x74: {  	_ =	shalt  }
0x75: {  	_ =	shalt  }
0x76: {  	_ =	shalt  }
0x77: {  	_ =	shalt  }
0x78: {  	_ =	shalt  }
0x79: {  	_ =	shalt  }
0x7a: {  	_ =	shalt  }
0x7b: {  	_ =	shalt  }
0x7c: {  	_ =	shalt  }
0x7d: {  	_ =	shalt  }
0x7e: {  	_ =	shalt  }
0x7f: {  	_ =	shalt  }
0x80: {  	_ =	shalt  }
0x81: {  	_ =	shalt  }
0x82: {  	_ =	shalt  }
0x83: {  	_ =	shalt  }
0x84: {  	_ =	shalt  }
0x85: {  	_ =	shalt  }
0x86: {  	_ =	shalt  }
0x87: {  	_ =	shalt  }
.Lfunc_end0:
.L_simem_size_0:
called_computation.1_lowered:
.L_overlay_start_0:
0x88: {  	s2 =	sld [smem:$0x3FD9]  }
0x89: {  	s3 =	sld [smem:$0x3FFE];
	_ =	sdelay $0x1  }
0x8a: {  	s1 =	srdreg.scid  }
0x8b: {  	s0 =	sand.u32 $0x1, s1  }
0x8c: {  	s16 =	sshll.u32 s0, $0xA;
	s2 =	sadd.s32 s3, s2  }
0x8d: {  	s2 =	sadd.s32 s2, s16  }
0x8e: {  	[smem:$0x3FBF] =	sst s2  }
0x8f: {  	_ = 	snop  }
0x90: {  	(tm) =	ssettm $0x1  }
0x91: {  	s17 =	sld [smem:$0x3FFB];
	_ =	sdelay $0x3  }
0x92: {  	_ =	strace s17  }
0x93: {  	s2 =	sld [smem:$0x3FFC];
	_ =	sdelay $0x3  }
0x94: {  	_ =	strace s2  }
0x95: {  	s2 =	sld [smem:$0x3FFD];
	_ =	sdelay $0x3  }
0x96: {  	_ =	strace s2  }
0x97: {  	_ =	strace $0x8FFFFFFF  }
0x98: {  	s18 =	sld [smem:$0x3FDB];
	_ =	sdelay $0x1  }
0x99: {  	s19 =	simm.s32 $_scs_section_size  }
0x9a: {  	s4 =	simm.s32 $_size__tile_overlayer_lowered;
	s5 =	simm.s32 $_tile_overlayer_lowered  }
0x9b: {  	s22 =	simm.s32 $0x1BFF;
	s21 =	sshll.u32 s5, $0x1;
	s2 =	sadd.s32 s19, s18  }
0x9c: {  	s6 =	simm.s32 $0x0;
	s20 =	sshll.u32 s4, $0x1;
	s4 =	sadd.s32 s21, s2  }
0x9d: {  	[timem:s6], [sflag:s22] =	dma.local [hbm:s4], s20  }
0x9e: {  	_ =	swait.ge [sflag:s22], s20  }
0x9f: {  	s3 =	ssub.s32 $0x0, s20;
	[sflag:s22] =	ssyncset.done $0x0  }
0xa0: {  	[sflag:s22] =	ssyncadd.s32 s3;
	_ =	sdelay $0x1  }
0xa1: {  	s23 =	simm.s32 $0x1B8B  }
0xa2: {  	_ =	swait.ge [sflag:s23], $0x1  }
0xa3: {  	[sflag:s23] =	ssyncset.done $0x0  }
0xa4: {  	s25 =	simm.s32 $0x1B8E;
	s24 =	sld [smem:$0x3FFE];
	[sflag:s23] =	ssyncadd.s32 $0xFFFFFFFF  }
0xa5: {  	s26 =	simm.s32 $execute0_lowered;
	[smem:$0x3FD2] =	sst s25  }
0xa6: {  	s4 =	sshll.u32 s26, $0x1;
	_ =	strace $0x80000049;
	[dreg:$0x1] =	wrdreg $0xFFFFFFFF  }
0xa7: {  	s28 =	simm.s32 $_size_execute0_lowered;
	s2 =	sadd.s32 s2, s4;
	[dreg:$0x0] =	wrdreg $0x0  }
0xa8: {  	s4 =	sshll.u32 s28, $0x1;
	[dreg:$0x2] =	wrdreg s2  }
0xa9: {  	[dreg:$0x3] =	wrdreg s4  }
0xaa: {  	[dreg:$0x4] =	wrdreg $0xC0  }
0xab: {  	_ =	task [dreg:s6], $0x5FFFF  }
0xac: {  	[dreg:$0x1] =	wrdreg $0xFFFFFFFF  }
0xad: {  	[dreg:$0x0] =	wrdreg $0x60  }
0xae: {  	[dreg:$0x2] =	wrdreg s24  }
0xaf: {  	[dreg:$0x3] =	wrdreg $0xA8000  }
0xb0: {  	[dreg:$0x4] =	wrdreg $0x9  }
0xb1: {  	_ =	task.clear_ibuf [dreg:s6], $0x5FFFF;
	_ =	strace $0x90000049  }
0xb2: {  	s29 =	simm.s32 $0x9;
	_ =	strace $0x8000004B  }
0xb3: {  	_ =	swait.ge [sflag:s29], $0x1  }
0xb4: {  	[sflag:s29] =	ssyncadd.s32 $0xFFFFFFFF  }
0xb5: {  	_ =	strace $0x9000004B  }
0xb6: {  	_ =	sfence  }
0xb7: {  	s30 =	sld [smem:$0x0];
	_ =	sdelay $0x2  }
0xb8: {  	s31 =	sshll.u32 s1, $0xD;
	s1 =	sshrl.u32 s1, $0x2  }
0xb9: {  	s3 =	sand.u32 $0x4000, s31;
	s1 =	sadd.s32 s1, s30  }
0xba: {  	s0 =	sor.u32 s3, s0;
	s1 =	sshll.u32 s1, $0x11  }
0xbb: {  	s0 =	sor.u32 s1, s0  }
0xbc: {  	s0 =	sadd.s32 $0x8F2B, s0  }
0xbd: {  	[sflag:s0] =	ssyncadd.remote.s32 $0x1  }
0xbe: {  	_ =	sfence.sel $0xFFFF  }
0xbf: {  	[dreg:$0x0] =	wrdreg $0xFFFFFFFF;
	(pc) =	sbr.abs _section_cstart, $3  }
0xc0: {  	[dreg:$0x1] =	wrdreg $0xFFFFFFFF  }
0xc1: {  	_ =	task.clear_ibuf [dreg:s6], $0x2FFFF;
	_ =	strace $0x9FFFFFFF  }
0xc2: {  	(tm) =	ssettm $0x7FFFFFFF  }
0xc3: {  	_ =	shalt  }
tec
execute0_lowered:
.L_overlay_start_1:
0x0: {  	(tag) =	ssettag $0x1  }
0x1: {  	s8 =	rddreg [dreg:$0x0]  }
0x2: {  	s1 =	rddreg [dreg:$0x1]  }
0x3: {  	s2 =	srdreg.scid;
	s0 =	rddreg [dreg:$0x2];
	s3 =	simm.s32 $0x0  }
0x4: {  	s15 =	simm.s32 $0x80;
	s16 =	simm.s32 $0x2800;
	s17 =	simm.s32 $0x6800  }
0x5: {  	s18 =	simm.s32 $0x1;
	s19 =	simm.s32 $0x2;
	s20 =	simm.s32 $0x3  }
0x6: {  	s21 =	simm.s32 $0x4;
	s23 =	simm.s32 $0x2700;
	s22 =	sand.u32 $0x1, s2  }
0x7: {  	s24 =	simm.s32 $0x2780;
	s2 =	stileid.u32;
	s6 =	smul.u32 $0x140000, s22  }
0x8: {  	[smem:$0x7FF] =	sst s3;
	s4 =	sadd.s32 $0x2AE00, s8;
	s7 =	smul.u32 $0x14000, s2  }
0x9: {  	s5 =	sadd.s32 $0x20E00, s8;
	_ =	strace $0x8000004A;
	s10 =	smul.u32 $0x50000, s2  }
0xa: {  	s29 =	ssub.s32 $0x2, s22;
	s12 =	smul.u32 $0x28, s2;
	s31 =	sshll.u32 s2, $0x6  }
0xb: {  	p0 =	seq.s32 s22, $0x0;
	s30 =	sshrl.u32 s29, $0x1;
	s7 =	sadd.s32 s7, s6  }
0xc: {  	s6 =	sadd.s32 $0x2E00, s8;
	s10 =	sshrl.u32 s10, $0x2;
	s13 =	ssub.s32 s29, s30  }
0xd: {  	s9 =	sshrl.u32 s7, $0x3;
	s7 =	sadd.s32 $0xCE00, s8;
	s14 =	sadd.s32 s10, s1  }
0xe: {  	s10 =	smul.u32 $0x78, s2;
	s11 =	sadd.s32 s9, s8;
	s8 =	sadd.s32 $0x780, s12  }
0xf: {  	s9 =	sor.u32 $0x1C05, s31;
	s12 =	sshrl.u32 s14, $0x3;
	s14 =	simm.s32 $0x1400  }
0x10: {  	s8 =	smov.u32 @p0 s10;
	s10 =	sadd.s32 $0x52E00, s11;
	s11 =	smax.u32 s13, $0x1  }
0x11: {  	s13 =	simm.s32 $0x5;
	p0 =	sne.s32 s22, $0x0;
	s22 =	simm.s32 $0x1380  }
.LBB2_1:
0x12: {  	[spmem:s12], [sflag:s9] =	dma.local [hbm:s7], $0x2800  }
0x13: {  	_ =	swait.ge [sflag:s13], $0x2800  }
0x14: {  	[sflag:s13] =	ssyncset.done $0x0  }
0x15: {  	[sflag:s13] =	ssyncadd.s32 $0xFFFFD800  }
0x16: {  	s25 =	simm.s32 $0x0;
	[bflag:$0x0] =	sbarrier.arrive $0xFFFF  }
.LBB2_2:
0x17: {  	s26 =	smul.u32 $0x28, s25;
	_ =	sdelay $0x1  }
0x18: {  	s26 =	sadd.s32 s8, s26  }
0x19: {  	s26 =	sshll.u32 s26, $0x4  }
0x1a: {  	s29 =	simm.s32 $0x0;
	s28 =	sadd.s32 s5, s26  }
0x1b: {  	[tilespmem:s29], [sflag:$0x5] =	stream.linear.gather [hbm4b:s28+s29], $0x1400, $0x38;
	[tilespmem:$0x1E800] =	vst v63  }
0x1c: {  	_ =	swait.ge [sflag:s13], $0x1400  }
0x1d: {  	[sflag:s13] =	ssyncset.done $0x0  }
0x1e: {  	s26 =	sadd.s32 s6, s26;
	[sflag:s13] =	ssyncadd.s32 $0xFFFFEC00  }
0x1f: {  	[tilespmem:s14], [sflag:$0x5] =	stream.linear.gather [hbm4b:s26+s29], $0x1400, $0x38;
	[tilespmem:$0x1E800] =	vst v63  }
0x20: {  	_ =	swait.ge [sflag:s13], $0x1400  }
0x21: {  	[sflag:s13] =	ssyncset.done $0x0  }
0x22: {  	[sflag:s13] =	ssyncadd.s32 $0xFFFFEC00  }
0x23: {  	[tilespmem:s16], [sflag:$0x1] =	stream.indirect.gather [hbm4b:s4+s15], $0x80, s29, s15, $0xb8;
	[tilespmem:$0x1E800] =	vst v63  }
0x24: {  	s31 =	simm.s32 $0x80  }
0x25: {  	[tilespmem:s17], [sflag:$0x2] =	stream.indirect.gather [hbm4b:s4+s15], $0x80, s31, s15, $0xb8;
	[tilespmem:$0x1E800] =	vst v63  }
0x26: {  	_ =	swait.ge [sflag:s18], $0x4000  }
0x27: {  	[sflag:s18] =	ssyncset.done $0x0  }
0x28: {  	s29 =	simm.s32 $0x1400;
	[sflag:s18] =	ssyncadd.s32 $0xFFFFC000  }
0x29: {  	[spmem:s1] =	stream.indirect.scatter.add.f32 [tilespmem:s16], [sflag:$0x3], $0x80, s29, s15, $0xb8;
	[tilespmem:$0x1E800] =	vst v63  }
0x2a: {  	_ =	swait.ge [sflag:s19], $0x4000  }
0x2b: {  	[sflag:s19] =	ssyncset.done $0x0  }
0x2c: {  	s30 =	simm.s32 $0x1480;
	[sflag:s19] =	ssyncadd.s32 $0xFFFFC000  }
0x2d: {  	[spmem:s1] =	stream.indirect.scatter.add.f32 [tilespmem:s17], [sflag:$0x4], $0x80, s30, s15, $0xb8;
	[tilespmem:$0x1E800] =	vst v63  }
0x2e: {  	_ =	swait.ge [sflag:s20], $0x4000  }
0x2f: {  	[sflag:s20] =	ssyncset.done $0x0  }
0x30: {  	s31 =	simm.s32 $0x100;
	[sflag:s20] =	ssyncadd.s32 $0xFFFFC000  }
0x31: {  	[tilespmem:s16], [sflag:$0x1] =	stream.indirect.gather [hbm4b:s4+s15], $0x80, s31, s15, $0xb8;
	[tilespmem:$0x1E800] =	vst v63  }
0x32: {  	_ =	swait.ge [sflag:s21], $0x4000  }
0x33: {  	s28 =	simm.s32 $0x800;
	s26 =	simm.s32 $0x100;
	[sflag:s21] =	ssyncset.done $0x0  }
.LBB2_3:
0x34: {  	s29 =	sadd.s32 $0x80, s26  }
0x35: {  	[sflag:s21] =	ssyncadd.s32 $0xFFFFC000;
	s30 =	smov.u32 s28;
	s31 =	sadd.s32 $0x400, s28  }
0x36: {  	[tilespmem:s17], [sflag:$0x2] =	stream.indirect.gather [hbm4b:s4+s15], $0x80, s29, s15, $0xb8;
	[tilespmem:$0x1E800] =	vst v63  }
0x37: {  	p1 =	sne.s32 s28, $0x4800;
	_ =	swait.ge [sflag:s18], $0x4000  }
0x38: {  	[sflag:s18] =	ssyncset.done $0x0  }
0x39: {  	s28 =	sadd.s32 $0x1400, s26;
	[sflag:s18] =	ssyncadd.s32 $0xFFFFC000  }
0x3a: {  	[spmem:s1] =	stream.indirect.scatter.add.f32 [tilespmem:s16], [sflag:$0x3], $0x80, s28, s15, $0xb8;
	[tilespmem:$0x1E800] =	vst v63  }
0x3b: {  	_ =	swait.ge [sflag:s19], $0x4000  }
0x3c: {  	[sflag:s19] =	ssyncset.done $0x0  }
0x3d: {  	s28 =	sadd.s32 $0x1480, s26;
	[sflag:s19] =	ssyncadd.s32 $0xFFFFC000  }
0x3e: {  	[spmem:s1] =	stream.indirect.scatter.add.f32 [tilespmem:s17], [sflag:$0x4], $0x80, s28, s15, $0xb8;
	[tilespmem:$0x1E800] =	vst v63  }
0x3f: {  	_ =	swait.ge [sflag:s20], $0x4000  }
.Ltmp0:
0x40: {  	[sflag:s20] =	ssyncset.done $0x0;
	(pc) =	sbr.rel @p1 .LBB2_3-.Ltmp0, $4  }
0x41: {  	s26 =	sadd.s32 $0x100, s26;
	[sflag:s20] =	ssyncadd.s32 $0xFFFFC000  }
0x42: {  	[tilespmem:s16], [sflag:$0x1] =	stream.indirect.gather [hbm4b:s4+s15], $0x80, s26, s15, $0xb8;
	[tilespmem:$0x1E800] =	vst v63  }
0x43: {  	_ =	swait.ge [sflag:s21], $0x4000  }
0x44: {  	s28 =	smov.u32 s31;
	s26 =	sshra.s32 s30, $0x2;
	[sflag:s21] =	ssyncset.done $0x0  }
0x45: {  	s28 =	sadd.s32 $0x80, s26;
	[sflag:s21] =	ssyncadd.s32 $0xFFFFC000  }
0x46: {  	[tilespmem:s17], [sflag:$0x2] =	stream.indirect.gather [hbm4b:s4+s15], $0x80, s28, s15, $0xb8;
	[tilespmem:$0x1E800] =	vst v63  }
0x47: {  	_ =	swait.ge [sflag:s18], $0x4000  }
0x48: {  	[sflag:s18] =	ssyncset.done $0x0  }
0x49: {  	s29 =	sadd.s32 $0x1400, s26;
	[sflag:s18] =	ssyncadd.s32 $0xFFFFC000  }
0x4a: {  	[spmem:s1] =	stream.indirect.scatter.add.f32 [tilespmem:s16], [sflag:$0x3], $0x80, s29, s15, $0xb8;
	[tilespmem:$0x1E800] =	vst v63  }
0x4b: {  	_ =	swait.ge [sflag:s19], $0x4000  }
0x4c: {  	[sflag:s19] =	ssyncset.done $0x0  }
0x4d: {  	s30 =	sadd.s32 $0x1480, s26;
	[sflag:s19] =	ssyncadd.s32 $0xFFFFC000  }
0x4e: {  	[spmem:s1] =	stream.indirect.scatter.add.f32 [tilespmem:s17], [sflag:$0x4], $0x80, s30, s15, $0xb8;
	[tilespmem:$0x1E800] =	vst v63  }
0x4f: {  	_ =	swait.ge [sflag:s20], $0x4000  }
0x50: {  	[sflag:s20] =	ssyncset.done $0x0  }
0x51: {  	s31 =	sadd.s32 $0x100, s26;
	[sflag:s20] =	ssyncadd.s32 $0xFFFFC000  }
0x52: {  	[tilespmem:s16], [sflag:$0x1] =	stream.indirect.gather [hbm4b:s4+s15], $0x80, s31, s15, $0xb8;
	[tilespmem:$0x1E800] =	vst v63  }
0x53: {  	_ =	swait.ge [sflag:s21], $0x4000  }
0x54: {  	[sflag:s21] =	ssyncset.done $0x0  }
0x55: {  	[sflag:s21] =	ssyncadd.s32 $0xFFFFC000  }
0x56: {  	[tilespmem:s17], [sflag:$0x2] =	stream.indirect.gather [hbm4b:s4+s15], $0x80, s22, s15, $0xb8;
	[tilespmem:$0x1E800] =	vst v63  }
0x57: {  	_ =	swait.ge [sflag:s18], $0x4000  }
0x58: {  	[sflag:s18] =	ssyncset.done $0x0  }
0x59: {  	[sflag:s18] =	ssyncadd.s32 $0xFFFFC000  }
0x5a: {  	[spmem:s1] =	stream.indirect.scatter.add.f32 [tilespmem:s16], [sflag:$0x3], $0x80, s23, s15, $0xb8;
	[tilespmem:$0x1E800] =	vst v63  }
0x5b: {  	_ =	swait.ge [sflag:s19], $0x4000  }
0x5c: {  	[sflag:s19] =	ssyncset.done $0x0  }
0x5d: {  	p1 =	slt.u32 @!p0 s25, $0x2;
	[sflag:s19] =	ssyncadd.s32 $0xFFFFC000  }
0x5e: {  	[spmem:s1] =	stream.indirect.scatter.add.f32 [tilespmem:s17], [sflag:$0x4], $0x80, s24, s15, $0xb8;
	[tilespmem:$0x1E800] =	vst v63  }
0x5f: {  	p1 =	por p0, !p1;
	_ =	swait.ge [sflag:s20], $0x4000  }
.Ltmp1:
0x60: {  	[sflag:s20] =	ssyncset.done $0x0;
	(pc) =	sbr.rel @!p1 .LBB2_2-.Ltmp1, $4  }
0x61: {  	[sflag:s20] =	ssyncadd.s32 $0xFFFFC000  }
0x62: {  	_ =	swait.ge [sflag:s21], $0x4000  }
0x63: {  	[sflag:s21] =	ssyncset.done $0x0  }
0x64: {  	s25 =	sadd.s32 $0x1, s25;
	[sflag:s21] =	ssyncadd.s32 $0xFFFFC000  }
0x65: {  	s3 =	sadd.s32 $0x1, s3  }
0x66: {  	p1 =	sne.s32 s3, s11  }
.Ltmp2:
0x67: {  	[bflag:$0x0] =	sbarrier.arrive $0xFFFF;
	(pc) =	sbr.rel @p1 .LBB2_1-.Ltmp2, $4  }
0x68: {  	[hbm:s10], [sflag:s9] =	dma.local [spmem:s12], $0x2800  }
0x69: {  	_ =	swait.ge [sflag:s13], $0x2800  }
0x6a: {  	[sflag:s13] =	ssyncset.done $0x0  }
0x6b: {  	[sflag:s13] =	ssyncadd.s32 $0xFFFFD800  }
0x6c: {  	_ =	sfence.sel $0x180000  }
0x6d: {  	[bflag:$0x0] =	sbarrier.arrive $0xFFFF  }
0x6e: {  	p0 =	sne.s32 s2, $0x0;
	_ =	strace $0x9000004A  }
0x6f: {  	s0 =	sadd.s32 @!p0 $0x100000, s0;
	[bflag:$0x2] =	sbarrier.arrive $0xFFFF  }
0x70: {  	[sflag:s0] =	ssyncadd.tile.s32 @!p0 $0x1;
	_ =	shalt  }
.Lfunc_end2:
_tile_overlayer_lowered:
.L_overlay_start_2:
0x71: {  	(tag) =	ssettag $0x2  }
0x72: {  	s0 =	rddreg [dreg:$0x0];
	s2 =	stileid.u32  }
0x73: {  	s1 =	rddreg [dreg:$0x1];
	p0 =	sne.s32 s2, $0x0  }
0x74: {  	s3 =	rddreg [dreg:$0x2];
	[bflag:$0x3] =	sbarrier.arrive $0xFFFF;
	s2 =	simm.s32 @!p0 $0x1C05  }
0x75: {  	[timem:s3], [sflag:s2] =	dma.local @!p0 [hbm:s0], s1  }
0x76: {  	s0 =	simm.s32 @!p0 $0x5  }
0x77: {  	_ =	swait.ge @!p0 [sflag:s0], s1  }
0x78: {  	s1 =	ssub.s32 @!p0 $0x0, s1;
	[sflag:s0] =	ssyncset.done @!p0 $0x0  }
0x79: {  	[sflag:s0] =	ssyncadd.s32 @!p0 s1  }
0x7a: {  	[bflag:$0x3] =	sbarrier.arrive $0xFFFF  }
0x7b: {  	_ =	shalt  }

// kernel: _run.14.cloned.1.call-start
scs
__scs_entry_jumppad:
0x0: {  	(pc) =	sbr.rel $0x88, $3  }
0x1: {  	(tag) =	ssettag $0x0;
	lr =	simm.s32 $0x1  }
0x2: {  	[smem:$0x3F98] =	sst lr;
	_ =	strace $0xD0000000  }
0x3: {  	_ = 	snop  }
0x4: {  	_ = 	snop  }
0x5: {  	_ = 	snop  }
0x6: {  	_ = 	snop  }
0x7: {  	_ = 	snop  }
__scs_overlays_trampoline_lowered:
0x8: {  	[smem:$0x3FA7] =	sst s0  }
0x9: {  	[smem:$0x3FA8] =	sst s1  }
0xa: {  	[smem:$0x3FA9] =	sst s2  }
0xb: {  	[smem:$0x3FAA] =	sst s3  }
0xc: {  	[smem:$0x3FAB] =	sst s4  }
0xd: {  	[smem:$0x3FAC] =	sst s5  }
0xe: {  	[smem:$0x3FAD] =	sst s6  }
0xf: {  	[smem:$0x3FAE] =	sst s7  }
0x10: {  	[smem:$0x3FAF] =	sst s8  }
0x11: {  	[smem:$0x3FB0] =	sst s9;
	s0 =	simm.s32 @!p0 $0x0  }
0x12: {  	s1 =	sld [smem:$0x3F96];
	s0 =	simm.s32 @p0 $0x1  }
0x13: {  	[smem:$0x3FB1] =	sst s0;
	s0 =	simm.s32 @!p1 $0x0  }
0x14: {  	s2 =	sld [smem:$0x3F95];
	s0 =	simm.s32 @p1 $0x1  }
0x15: {  	[smem:$0x3FB2] =	sst s0;
	s0 =	simm.s32 @!p2 $0x0  }
0x16: {  	s3 =	sld [smem:$0x3FDB];
	s0 =	simm.s32 @p2 $0x1  }
0x17: {  	s4 =	simm.s32 $0x1BF5;
	[smem:$0x3FB4] =	sst s0  }
0x18: {  	s0 =	sld [smem:$0x3F97];
	_ =	swait.ge [sflag:s4], $0x0  }
0x19: {  	s7 =	sld [smem:$0x3F98]  }
0x1a: {  	s8 =	sadd.s32 $0xFFFFE003, lr  }
0x1b: {  	s9 =	sadd.s32 $0xFFFFFEF7, lr;
	s5 =	simm.s32 $0xFFFFFFFF;
	p2 =	slt.u32 s8, $0xFFFFF086  }
0x1c: {  	p1 =	slt.u32 s9, $0xF7A;
	s5 =	simm.s32 @!p2 $0x0  }
0x1d: {  	s5 =	simm.s32 @p1 $0x1;
	p0 =	seq.s32 s7, s2  }
0x1e: {  	s7 =	smul.u32 @!p0 $0xF7A, s2;
	p2 =	seq.s32 @!p0 s5, $0x0  }
0x1f: {  	s9 =	smul.u32 $0xF7A, s1;
	s8 =	simm.s32 @!p0 $0x1BF5;
	p2 =	por !p2, p0  }
0x20: {  	[sflag:s8] =	ssyncset.s32 @!p0 $0xFFFFF086;
	s6 =	sadd.s32 @!p0 s3, s7;
	s7 =	simm.s32 @!p0 $0x108  }
0x21: {  	s3 =	sadd.s32 s3, s9;
	s6 =	sadd.s32 @!p0 $0x88, s6;
	s7 =	simm.s32 @p2 $0x1082  }
0x22: {  	[simem:s7], [sflag:s8] =	dma.local @!p0 [hbm:s6], $0xF7A  }
0x23: {  	s9 =	sor.u32 $0xD0000000, s2;
	s6 =	simm.s32 $0x108;
	_ =	swait.ge @!p0 [sflag:s8], $0x0  }
0x24: {  	s3 =	sadd.s32 $0x88, s3;
	s6 =	simm.s32 @!p1 $0x1082;
	[sflag:s4] =	ssyncset.s32 $0xFFFFF086  }
0x25: {  	[simem:s6], [sflag:s4] =	dma.local [hbm:s3], $0xF7A  }
0x26: {  	[smem:$0x3F98] =	sst s1;
	(tag) =	ssettag s2;
	_ =	strace s9  }
0x27: {  	s1 =	sld [smem:$0x3FA8]  }
0x28: {  	s2 =	sld [smem:$0x3FA9]  }
0x29: {  	s4 =	sld [smem:$0x3FAB]  }
0x2a: {  	p0 =	seq.s32 s5, $0x0;
	s5 =	sld [smem:$0x3FAC]  }
0x2b: {  	s6 =	sld [smem:$0x3FAD]  }
0x2c: {  	s7 =	sld [smem:$0x3FAE]  }
0x2d: {  	s3 =	simm.s32 $0x108;
	s8 =	sld [smem:$0x3FAF]  }
0x2e: {  	s3 =	simm.s32 @!p0 $0x1082;
	s9 =	sld [smem:$0x3FB0]  }
0x2f: {  	lr =	sadd.s32 s0, s3;
	s0 =	sld [smem:$0x3FA7]  }
0x30: {  	s3 =	sld [smem:$0x3FAA]  }
0x31: {  	[smem:$0x3FB3] =	sst s10  }
0x32: {  	s10 =	sld [smem:$0x3FB1];
	_ =	sdelay $0x3  }
0x33: {  	p0 =	seq.s32 s10, $0x1;
	s10 =	sld [smem:$0x3FB3];
	_ =	sdelay $0x3  }
0x34: {  	[smem:$0x3FB3] =	sst s10  }
0x35: {  	s10 =	sld [smem:$0x3FB2];
	_ =	sdelay $0x3  }
0x36: {  	p1 =	seq.s32 s10, $0x1;
	s10 =	sld [smem:$0x3FB3];
	_ =	sdelay $0x3  }
0x37: {  	[smem:$0x3FB3] =	sst s10  }
0x38: {  	s10 =	sld [smem:$0x3FB4]  }
0x39: {  	_ = 	snop;
	(pc) =	sbr.ind lr, $3  }
0x3a: {  	_ = 	snop  }
0x3b: {  	_ = 	snop  }
0x3c: {  	p2 =	seq.s32 s10, $0x1;
	s10 =	sld [smem:$0x3FB3]  }
0x3d: {  	_ =	shalt  }
0x3e: {  	_ =	shalt  }
0x3f: {  	_ =	shalt  }
0x40: {  	_ =	shalt  }
0x41: {  	_ =	shalt  }
0x42: {  	_ =	shalt  }
0x43: {  	_ =	shalt  }
0x44: {  	_ =	shalt  }
0x45: {  	_ =	shalt  }
0x46: {  	_ =	shalt  }
0x47: {  	_ =	shalt  }
0x48: {  	_ =	shalt  }
0x49: {  	_ =	shalt  }
0x4a: {  	_ =	shalt  }
0x4b: {  	_ =	shalt  }
0x4c: {  	_ =	shalt  }
0x4d: {  	_ =	shalt  }
0x4e: {  	_ =	shalt  }
0x4f: {  	_ =	shalt  }
0x50: {  	_ =	shalt  }
0x51: {  	_ =	shalt  }
0x52: {  	_ =	shalt  }
0x53: {  	_ =	shalt  }
0x54: {  	_ =	shalt  }
0x55: {  	_ =	shalt  }
0x56: {  	_ =	shalt  }
0x57: {  	_ =	shalt  }
0x58: {  	_ =	shalt  }
0x59: {  	_ =	shalt  }
0x5a: {  	_ =	shalt  }
0x5b: {  	_ =	shalt  }
0x5c: {  	_ =	shalt  }
0x5d: {  	_ =	shalt  }
0x5e: {  	_ =	shalt  }
0x5f: {  	_ =	shalt  }
0x60: {  	_ =	shalt  }
0x61: {  	_ =	shalt  }
0x62: {  	_ =	shalt  }
0x63: {  	_ =	shalt  }
0x64: {  	_ =	shalt  }
0x65: {  	_ =	shalt  }
0x66: {  	_ =	shalt  }
0x67: {  	_ =	shalt  }
0x68: {  	_ =	shalt  }
0x69: {  	_ =	shalt  }
0x6a: {  	_ =	shalt  }
0x6b: {  	_ =	shalt  }
0x6c: {  	_ =	shalt  }
0x6d: {  	_ =	shalt  }
0x6e: {  	_ =	shalt  }
0x6f: {  	_ =	shalt  }
0x70: {  	_ =	shalt  }
0x71: {  	_ =	shalt  }
0x72: {  	_ =	shalt  }
0x73: {  	_ =	shalt  }
0x74: {  	_ =	shalt  }
0x75: {  	_ =	shalt  }
0x76: {  	_ =	shalt  }
0x77: {  	_ =	shalt  }
0x78: {  	_ =	shalt  }
0x79: {  	_ =	shalt  }
0x7a: {  	_ =	shalt  }
0x7b: {  	_ =	shalt  }
0x7c: {  	_ =	shalt  }
0x7d: {  	_ =	shalt  }
0x7e: {  	_ =	shalt  }
0x7f: {  	_ =	shalt  }
0x80: {  	_ =	shalt  }
0x81: {  	_ =	shalt  }
0x82: {  	_ =	shalt  }
0x83: {  	_ =	shalt  }
0x84: {  	_ =	shalt  }
0x85: {  	_ =	shalt  }
0x86: {  	_ =	shalt  }
0x87: {  	_ =	shalt  }
.Lfunc_end0:
.L_simem_size_0:
called_computation.2_lowered:
.L_overlay_start_0:
0x88: {  	s2 =	sld [smem:$0x3FD9]  }
0x89: {  	s3 =	sld [smem:$0x3FFE];
	_ =	sdelay $0x1  }
0x8a: {  	s1 =	srdreg.scid  }
0x8b: {  	s0 =	sand.u32 $0x1, s1  }
0x8c: {  	s16 =	sshll.u32 s0, $0xA;
	s2 =	sadd.s32 s3, s2  }
0x8d: {  	s2 =	sadd.s32 s2, s16  }
0x8e: {  	[smem:$0x3FBF] =	sst s2  }
0x8f: {  	_ = 	snop  }
0x90: {  	(tm) =	ssettm $0x1  }
0x91: {  	s17 =	sld [smem:$0x3FFB];
	_ =	sdelay $0x3  }
0x92: {  	_ =	strace s17  }
0x93: {  	s2 =	sld [smem:$0x3FFC];
	_ =	sdelay $0x3  }
0x94: {  	_ =	strace s2  }
0x95: {  	s2 =	sld [smem:$0x3FFD];
	_ =	sdelay $0x3  }
0x96: {  	_ =	strace s2  }
0x97: {  	_ =	strace $0x8FFFFFFF  }
0x98: {  	s18 =	sld [smem:$0x3FDB];
	_ =	sdelay $0x1  }
0x99: {  	s19 =	simm.s32 $_scs_section_size  }
0x9a: {  	s4 =	simm.s32 $_size__tile_overlayer_lowered;
	s5 =	simm.s32 $_tile_overlayer_lowered  }
0x9b: {  	s22 =	simm.s32 $0x1BFF;
	s21 =	sshll.u32 s5, $0x1;
	s2 =	sadd.s32 s19, s18  }
0x9c: {  	s6 =	simm.s32 $0x0;
	s20 =	sshll.u32 s4, $0x1;
	s4 =	sadd.s32 s21, s2  }
0x9d: {  	[timem:s6], [sflag:s22] =	dma.local [hbm:s4], s20  }
0x9e: {  	_ =	swait.ge [sflag:s22], s20  }
0x9f: {  	s3 =	ssub.s32 $0x0, s20;
	[sflag:s22] =	ssyncset.done $0x0  }
0xa0: {  	[sflag:s22] =	ssyncadd.s32 s3;
	_ =	sdelay $0x1  }
0xa1: {  	s23 =	simm.s32 $0x1B8B  }
0xa2: {  	_ =	swait.ge [sflag:s23], $0x1  }
0xa3: {  	[sflag:s23] =	ssyncset.done $0x0  }
0xa4: {  	s25 =	simm.s32 $0x1B8E;
	s24 =	sld [smem:$0x3FFE];
	[sflag:s23] =	ssyncadd.s32 $0xFFFFFFFF  }
0xa5: {  	s26 =	simm.s32 $execute0_lowered;
	[smem:$0x3FD2] =	sst s25  }
0xa6: {  	s4 =	sshll.u32 s26, $0x1;
	_ =	strace $0x8000004C;
	[dreg:$0x1] =	wrdreg $0xFFFFFFFF  }
0xa7: {  	s28 =	simm.s32 $_size_execute0_lowered;
	s2 =	sadd.s32 s2, s4;
	[dreg:$0x0] =	wrdreg $0x0  }
0xa8: {  	s4 =	sshll.u32 s28, $0x1;
	[dreg:$0x2] =	wrdreg s2  }
0xa9: {  	[dreg:$0x3] =	wrdreg s4  }
0xaa: {  	[dreg:$0x4] =	wrdreg $0xC0  }
0xab: {  	_ =	task [dreg:s6], $0x5FFFF  }
0xac: {  	[dreg:$0x1] =	wrdreg $0xFFFFFFFF  }
0xad: {  	[dreg:$0x0] =	wrdreg $0x60  }
0xae: {  	[dreg:$0x2] =	wrdreg s24  }
0xaf: {  	[dreg:$0x3] =	wrdreg $0xA8000  }
0xb0: {  	[dreg:$0x4] =	wrdreg $0x9  }
0xb1: {  	_ =	task.clear_ibuf [dreg:s6], $0x5FFFF;
	_ =	strace $0x9000004C  }
0xb2: {  	s29 =	simm.s32 $0x9;
	_ =	strace $0x8000004E  }
0xb3: {  	_ =	swait.ge [sflag:s29], $0x1  }
0xb4: {  	[sflag:s29] =	ssyncadd.s32 $0xFFFFFFFF  }
0xb5: {  	_ =	strace $0x9000004E  }
0xb6: {  	_ =	sfence  }
0xb7: {  	s30 =	sld [smem:$0x0];
	_ =	sdelay $0x2  }
0xb8: {  	s31 =	sshll.u32 s1, $0xD;
	s1 =	sshrl.u32 s1, $0x2  }
0xb9: {  	s3 =	sand.u32 $0x4000, s31;
	s1 =	sadd.s32 s1, s30  }
0xba: {  	s0 =	sor.u32 s3, s0;
	s1 =	sshll.u32 s1, $0x11  }
0xbb: {  	s0 =	sor.u32 s1, s0  }
0xbc: {  	s0 =	sadd.s32 $0x8F2B, s0  }
0xbd: {  	[sflag:s0] =	ssyncadd.remote.s32 $0x1  }
0xbe: {  	_ =	sfence.sel $0xFFFF  }
0xbf: {  	[dreg:$0x0] =	wrdreg $0xFFFFFFFF;
	(pc) =	sbr.abs _section_cstart, $3  }
0xc0: {  	[dreg:$0x1] =	wrdreg $0xFFFFFFFF  }
0xc1: {  	_ =	task.clear_ibuf [dreg:s6], $0x2FFFF;
	_ =	strace $0x9FFFFFFF  }
0xc2: {  	(tm) =	ssettm $0x7FFFFFFF  }
0xc3: {  	_ =	shalt  }
tec
execute0_lowered:
.L_overlay_start_1:
0x0: {  	(tag) =	ssettag $0x1  }
0x1: {  	s8 =	rddreg [dreg:$0x0]  }
0x2: {  	s1 =	rddreg [dreg:$0x1]  }
0x3: {  	s2 =	srdreg.scid;
	s0 =	rddreg [dreg:$0x2];
	s3 =	simm.s32 $0x0  }
0x4: {  	s15 =	simm.s32 $0x80;
	s16 =	simm.s32 $0x2800;
	s17 =	simm.s32 $0x6800  }
0x5: {  	s18 =	simm.s32 $0x1;
	s19 =	simm.s32 $0x2;
	s20 =	simm.s32 $0x3  }
0x6: {  	s21 =	simm.s32 $0x4;
	s23 =	simm.s32 $0x2700;
	s22 =	sand.u32 $0x1, s2  }
0x7: {  	s24 =	simm.s32 $0x2780;
	s2 =	stileid.u32;
	s6 =	smul.u32 $0x140000, s22  }
0x8: {  	[smem:$0x7FF] =	sst s3;
	s4 =	sadd.s32 $0x2AE00, s8;
	s7 =	smul.u32 $0x14000, s2  }
0x9: {  	s5 =	sadd.s32 $0x20E00, s8;
	_ =	strace $0x8000004D;
	s10 =	smul.u32 $0x50000, s2  }
0xa: {  	s29 =	ssub.s32 $0x2, s22;
	s12 =	smul.u32 $0x28, s2;
	s31 =	sshll.u32 s2, $0x6  }
0xb: {  	p0 =	seq.s32 s22, $0x0;
	s30 =	sshrl.u32 s29, $0x1;
	s7 =	sadd.s32 s7, s6  }
0xc: {  	s6 =	sadd.s32 $0x2E00, s8;
	s10 =	sshrl.u32 s10, $0x2;
	s13 =	ssub.s32 s29, s30  }
0xd: {  	s9 =	sshrl.u32 s7, $0x3;
	s7 =	sadd.s32 $0xCE00, s8;
	s14 =	sadd.s32 s10, s1  }
0xe: {  	s10 =	smul.u32 $0x78, s2;
	s11 =	sadd.s32 s9, s8;
	s8 =	sadd.s32 $0x780, s12  }
0xf: {  	s9 =	sor.u32 $0x1C05, s31;
	s12 =	sshrl.u32 s14, $0x3;
	s14 =	simm.s32 $0x1400  }
0x10: {  	s8 =	smov.u32 @p0 s10;
	s10 =	sadd.s32 $0x52E00, s11;
	s11 =	smax.u32 s13, $0x1  }
0x11: {  	s13 =	simm.s32 $0x5;
	p0 =	sne.s32 s22, $0x0;
	s22 =	simm.s32 $0x1380  }
.LBB2_1:
0x12: {  	[spmem:s12], [sflag:s9] =	dma.local [hbm:s7], $0x2800  }
0x13: {  	_ =	swait.ge [sflag:s13], $0x2800  }
0x14: {  	[sflag:s13] =	ssyncset.done $0x0  }
0x15: {  	[sflag:s13] =	ssyncadd.s32 $0xFFFFD800  }
0x16: {  	s25 =	simm.s32 $0x0;
	[bflag:$0x0] =	sbarrier.arrive $0xFFFF  }
.LBB2_2:
0x17: {  	s26 =	smul.u32 $0x28, s25;
	_ =	sdelay $0x1  }
0x18: {  	s26 =	sadd.s32 s8, s26  }
0x19: {  	s26 =	sshll.u32 s26, $0x4  }
0x1a: {  	s29 =	simm.s32 $0x0;
	s28 =	sadd.s32 s5, s26  }
0x1b: {  	[tilespmem:s29], [sflag:$0x5] =	stream.linear.gather [hbm4b:s28+s29], $0x1400, $0x38;
	[tilespmem:$0x1E800] =	vst v63  }
0x1c: {  	_ =	swait.ge [sflag:s13], $0x1400  }
0x1d: {  	[sflag:s13] =	ssyncset.done $0x0  }
0x1e: {  	s26 =	sadd.s32 s6, s26;
	[sflag:s13] =	ssyncadd.s32 $0xFFFFEC00  }
0x1f: {  	[tilespmem:s14], [sflag:$0x5] =	stream.linear.gather [hbm4b:s26+s29], $0x1400, $0x38;
	[tilespmem:$0x1E800] =	vst v63  }
0x20: {  	_ =	swait.ge [sflag:s13], $0x1400  }
0x21: {  	[sflag:s13] =	ssyncset.done $0x0  }
0x22: {  	[sflag:s13] =	ssyncadd.s32 $0xFFFFEC00  }
0x23: {  	[tilespmem:s16], [sflag:$0x1] =	stream.indirect.gather [hbm4b:s4+s15], $0x80, s29, s15, $0xb8;
	[tilespmem:$0x1E800] =	vst v63  }
0x24: {  	s31 =	simm.s32 $0x80  }
0x25: {  	[tilespmem:s17], [sflag:$0x2] =	stream.indirect.gather [hbm4b:s4+s15], $0x80, s31, s15, $0xb8;
	[tilespmem:$0x1E800] =	vst v63  }
0x26: {  	_ =	swait.ge [sflag:s18], $0x4000  }
0x27: {  	[sflag:s18] =	ssyncset.done $0x0  }
0x28: {  	s29 =	simm.s32 $0x1400;
	[sflag:s18] =	ssyncadd.s32 $0xFFFFC000  }
0x29: {  	[spmem:s1] =	stream.indirect.scatter.add.f32 [tilespmem:s16], [sflag:$0x3], $0x80, s29, s15, $0xb8;
	[tilespmem:$0x1E800] =	vst v63  }
0x2a: {  	_ =	swait.ge [sflag:s19], $0x4000  }
0x2b: {  	[sflag:s19] =	ssyncset.done $0x0  }
0x2c: {  	s30 =	simm.s32 $0x1480;
	[sflag:s19] =	ssyncadd.s32 $0xFFFFC000  }
0x2d: {  	[spmem:s1] =	stream.indirect.scatter.add.f32 [tilespmem:s17], [sflag:$0x4], $0x80, s30, s15, $0xb8;
	[tilespmem:$0x1E800] =	vst v63  }
0x2e: {  	_ =	swait.ge [sflag:s20], $0x4000  }
0x2f: {  	[sflag:s20] =	ssyncset.done $0x0  }
0x30: {  	s31 =	simm.s32 $0x100;
	[sflag:s20] =	ssyncadd.s32 $0xFFFFC000  }
0x31: {  	[tilespmem:s16], [sflag:$0x1] =	stream.indirect.gather [hbm4b:s4+s15], $0x80, s31, s15, $0xb8;
	[tilespmem:$0x1E800] =	vst v63  }
0x32: {  	_ =	swait.ge [sflag:s21], $0x4000  }
0x33: {  	s28 =	simm.s32 $0x800;
	s26 =	simm.s32 $0x100;
	[sflag:s21] =	ssyncset.done $0x0  }
.LBB2_3:
0x34: {  	s29 =	sadd.s32 $0x80, s26  }
0x35: {  	[sflag:s21] =	ssyncadd.s32 $0xFFFFC000;
	s30 =	smov.u32 s28;
	s31 =	sadd.s32 $0x400, s28  }
0x36: {  	[tilespmem:s17], [sflag:$0x2] =	stream.indirect.gather [hbm4b:s4+s15], $0x80, s29, s15, $0xb8;
	[tilespmem:$0x1E800] =	vst v63  }
0x37: {  	p1 =	sne.s32 s28, $0x4800;
	_ =	swait.ge [sflag:s18], $0x4000  }
0x38: {  	[sflag:s18] =	ssyncset.done $0x0  }
0x39: {  	s28 =	sadd.s32 $0x1400, s26;
	[sflag:s18] =	ssyncadd.s32 $0xFFFFC000  }
0x3a: {  	[spmem:s1] =	stream.indirect.scatter.add.f32 [tilespmem:s16], [sflag:$0x3], $0x80, s28, s15, $0xb8;
	[tilespmem:$0x1E800] =	vst v63  }
0x3b: {  	_ =	swait.ge [sflag:s19], $0x4000  }
0x3c: {  	[sflag:s19] =	ssyncset.done $0x0  }
0x3d: {  	s28 =	sadd.s32 $0x1480, s26;
	[sflag:s19] =	ssyncadd.s32 $0xFFFFC000  }
0x3e: {  	[spmem:s1] =	stream.indirect.scatter.add.f32 [tilespmem:s17], [sflag:$0x4], $0x80, s28, s15, $0xb8;
	[tilespmem:$0x1E800] =	vst v63  }
0x3f: {  	_ =	swait.ge [sflag:s20], $0x4000  }
.Ltmp0:
0x40: {  	[sflag:s20] =	ssyncset.done $0x0;
	(pc) =	sbr.rel @p1 .LBB2_3-.Ltmp0, $4  }
0x41: {  	s26 =	sadd.s32 $0x100, s26;
	[sflag:s20] =	ssyncadd.s32 $0xFFFFC000  }
0x42: {  	[tilespmem:s16], [sflag:$0x1] =	stream.indirect.gather [hbm4b:s4+s15], $0x80, s26, s15, $0xb8;
	[tilespmem:$0x1E800] =	vst v63  }
0x43: {  	_ =	swait.ge [sflag:s21], $0x4000  }
0x44: {  	s28 =	smov.u32 s31;
	s26 =	sshra.s32 s30, $0x2;
	[sflag:s21] =	ssyncset.done $0x0  }
0x45: {  	s28 =	sadd.s32 $0x80, s26;
	[sflag:s21] =	ssyncadd.s32 $0xFFFFC000  }
0x46: {  	[tilespmem:s17], [sflag:$0x2] =	stream.indirect.gather [hbm4b:s4+s15], $0x80, s28, s15, $0xb8;
	[tilespmem:$0x1E800] =	vst v63  }
0x47: {  	_ =	swait.ge [sflag:s18], $0x4000  }
0x48: {  	[sflag:s18] =	ssyncset.done $0x0  }
0x49: {  	s29 =	sadd.s32 $0x1400, s26;
	[sflag:s18] =	ssyncadd.s32 $0xFFFFC000  }
0x4a: {  	[spmem:s1] =	stream.indirect.scatter.add.f32 [tilespmem:s16], [sflag:$0x3], $0x80, s29, s15, $0xb8;
	[tilespmem:$0x1E800] =	vst v63  }
0x4b: {  	_ =	swait.ge [sflag:s19], $0x4000  }
0x4c: {  	[sflag:s19] =	ssyncset.done $0x0  }
0x4d: {  	s30 =	sadd.s32 $0x1480, s26;
	[sflag:s19] =	ssyncadd.s32 $0xFFFFC000  }
0x4e: {  	[spmem:s1] =	stream.indirect.scatter.add.f32 [tilespmem:s17], [sflag:$0x4], $0x80, s30, s15, $0xb8;
	[tilespmem:$0x1E800] =	vst v63  }
0x4f: {  	_ =	swait.ge [sflag:s20], $0x4000  }
0x50: {  	[sflag:s20] =	ssyncset.done $0x0  }
0x51: {  	s31 =	sadd.s32 $0x100, s26;
	[sflag:s20] =	ssyncadd.s32 $0xFFFFC000  }
0x52: {  	[tilespmem:s16], [sflag:$0x1] =	stream.indirect.gather [hbm4b:s4+s15], $0x80, s31, s15, $0xb8;
	[tilespmem:$0x1E800] =	vst v63  }
0x53: {  	_ =	swait.ge [sflag:s21], $0x4000  }
0x54: {  	[sflag:s21] =	ssyncset.done $0x0  }
0x55: {  	[sflag:s21] =	ssyncadd.s32 $0xFFFFC000  }
0x56: {  	[tilespmem:s17], [sflag:$0x2] =	stream.indirect.gather [hbm4b:s4+s15], $0x80, s22, s15, $0xb8;
	[tilespmem:$0x1E800] =	vst v63  }
0x57: {  	_ =	swait.ge [sflag:s18], $0x4000  }
0x58: {  	[sflag:s18] =	ssyncset.done $0x0  }
0x59: {  	[sflag:s18] =	ssyncadd.s32 $0xFFFFC000  }
0x5a: {  	[spmem:s1] =	stream.indirect.scatter.add.f32 [tilespmem:s16], [sflag:$0x3], $0x80, s23, s15, $0xb8;
	[tilespmem:$0x1E800] =	vst v63  }
0x5b: {  	_ =	swait.ge [sflag:s19], $0x4000  }
0x5c: {  	[sflag:s19] =	ssyncset.done $0x0  }
0x5d: {  	p1 =	slt.u32 @!p0 s25, $0x2;
	[sflag:s19] =	ssyncadd.s32 $0xFFFFC000  }
0x5e: {  	[spmem:s1] =	stream.indirect.scatter.add.f32 [tilespmem:s17], [sflag:$0x4], $0x80, s24, s15, $0xb8;
	[tilespmem:$0x1E800] =	vst v63  }
0x5f: {  	p1 =	por p0, !p1;
	_ =	swait.ge [sflag:s20], $0x4000  }
.Ltmp1:
0x60: {  	[sflag:s20] =	ssyncset.done $0x0;
	(pc) =	sbr.rel @!p1 .LBB2_2-.Ltmp1, $4  }
0x61: {  	[sflag:s20] =	ssyncadd.s32 $0xFFFFC000  }
0x62: {  	_ =	swait.ge [sflag:s21], $0x4000  }
0x63: {  	[sflag:s21] =	ssyncset.done $0x0  }
0x64: {  	s25 =	sadd.s32 $0x1, s25;
	[sflag:s21] =	ssyncadd.s32 $0xFFFFC000  }
0x65: {  	s3 =	sadd.s32 $0x1, s3  }
0x66: {  	p1 =	sne.s32 s3, s11  }
.Ltmp2:
0x67: {  	[bflag:$0x0] =	sbarrier.arrive $0xFFFF;
	(pc) =	sbr.rel @p1 .LBB2_1-.Ltmp2, $4  }
0x68: {  	[hbm:s10], [sflag:s9] =	dma.local [spmem:s12], $0x2800  }
0x69: {  	_ =	swait.ge [sflag:s13], $0x2800  }
0x6a: {  	[sflag:s13] =	ssyncset.done $0x0  }
0x6b: {  	[sflag:s13] =	ssyncadd.s32 $0xFFFFD800  }
0x6c: {  	_ =	sfence.sel $0x180000  }
0x6d: {  	[bflag:$0x0] =	sbarrier.arrive $0xFFFF  }
0x6e: {  	p0 =	sne.s32 s2, $0x0;
	_ =	strace $0x9000004D  }
0x6f: {  	s0 =	sadd.s32 @!p0 $0x100000, s0;
	[bflag:$0x2] =	sbarrier.arrive $0xFFFF  }
0x70: {  	[sflag:s0] =	ssyncadd.tile.s32 @!p0 $0x1;
	_ =	shalt  }
.Lfunc_end2:
_tile_overlayer_lowered:
.L_overlay_start_2:
0x71: {  	(tag) =	ssettag $0x2  }
0x72: {  	s0 =	rddreg [dreg:$0x0];
	s2 =	stileid.u32  }
0x73: {  	s1 =	rddreg [dreg:$0x1];
	p0 =	sne.s32 s2, $0x0  }
0x74: {  	s3 =	rddreg [dreg:$0x2];
	[bflag:$0x3] =	sbarrier.arrive $0xFFFF;
	s2 =	simm.s32 @!p0 $0x1C05  }
0x75: {  	[timem:s3], [sflag:s2] =	dma.local @!p0 [hbm:s0], s1  }
0x76: {  	s0 =	simm.s32 @!p0 $0x5  }
0x77: {  	_ =	swait.ge @!p0 [sflag:s0], s1  }
0x78: {  	s1 =	ssub.s32 @!p0 $0x0, s1;
	[sflag:s0] =	ssyncset.done @!p0 $0x0  }
0x79: {  	[sflag:s0] =	ssyncadd.s32 @!p0 s1  }
0x7a: {  	[bflag:$0x3] =	sbarrier.arrive $0xFFFF  }
0x7b: {  	_ =	shalt  }

// kernel: _run.8.cloned.1.call-start
scs
__scs_entry_jumppad:
0x0: {  	(pc) =	sbr.rel $0x88, $3  }
0x1: {  	(tag) =	ssettag $0x0;
	lr =	simm.s32 $0x1  }
0x2: {  	[smem:$0x3F98] =	sst lr;
	_ =	strace $0xD0000000  }
0x3: {  	_ = 	snop  }
0x4: {  	_ = 	snop  }
0x5: {  	_ = 	snop  }
0x6: {  	_ = 	snop  }
0x7: {  	_ = 	snop  }
__scs_overlays_trampoline_lowered:
0x8: {  	[smem:$0x3FA7] =	sst s0  }
0x9: {  	[smem:$0x3FA8] =	sst s1  }
0xa: {  	[smem:$0x3FA9] =	sst s2  }
0xb: {  	[smem:$0x3FAA] =	sst s3  }
0xc: {  	[smem:$0x3FAB] =	sst s4  }
0xd: {  	[smem:$0x3FAC] =	sst s5  }
0xe: {  	[smem:$0x3FAD] =	sst s6  }
0xf: {  	[smem:$0x3FAE] =	sst s7  }
0x10: {  	[smem:$0x3FAF] =	sst s8  }
0x11: {  	[smem:$0x3FB0] =	sst s9;
	s0 =	simm.s32 @!p0 $0x0  }
0x12: {  	s1 =	sld [smem:$0x3F96];
	s0 =	simm.s32 @p0 $0x1  }
0x13: {  	[smem:$0x3FB1] =	sst s0;
	s0 =	simm.s32 @!p1 $0x0  }
0x14: {  	s2 =	sld [smem:$0x3F95];
	s0 =	simm.s32 @p1 $0x1  }
0x15: {  	[smem:$0x3FB2] =	sst s0;
	s0 =	simm.s32 @!p2 $0x0  }
0x16: {  	s3 =	sld [smem:$0x3FDB];
	s0 =	simm.s32 @p2 $0x1  }
0x17: {  	s4 =	simm.s32 $0x1BF5;
	[smem:$0x3FB4] =	sst s0  }
0x18: {  	s0 =	sld [smem:$0x3F97];
	_ =	swait.ge [sflag:s4], $0x0  }
0x19: {  	s7 =	sld [smem:$0x3F98]  }
0x1a: {  	s8 =	sadd.s32 $0xFFFFE003, lr  }
0x1b: {  	s9 =	sadd.s32 $0xFFFFFEF7, lr;
	s5 =	simm.s32 $0xFFFFFFFF;
	p2 =	slt.u32 s8, $0xFFFFF086  }
0x1c: {  	p1 =	slt.u32 s9, $0xF7A;
	s5 =	simm.s32 @!p2 $0x0  }
0x1d: {  	s5 =	simm.s32 @p1 $0x1;
	p0 =	seq.s32 s7, s2  }
0x1e: {  	s7 =	smul.u32 @!p0 $0xF7A, s2;
	p2 =	seq.s32 @!p0 s5, $0x0  }
0x1f: {  	s9 =	smul.u32 $0xF7A, s1;
	s8 =	simm.s32 @!p0 $0x1BF5;
	p2 =	por !p2, p0  }
0x20: {  	[sflag:s8] =	ssyncset.s32 @!p0 $0xFFFFF086;
	s6 =	sadd.s32 @!p0 s3, s7;
	s7 =	simm.s32 @!p0 $0x108  }
0x21: {  	s3 =	sadd.s32 s3, s9;
	s6 =	sadd.s32 @!p0 $0x88, s6;
	s7 =	simm.s32 @p2 $0x1082  }
0x22: {  	[simem:s7], [sflag:s8] =	dma.local @!p0 [hbm:s6], $0xF7A  }
0x23: {  	s9 =	sor.u32 $0xD0000000, s2;
	s6 =	simm.s32 $0x108;
	_ =	swait.ge @!p0 [sflag:s8], $0x0  }
0x24: {  	s3 =	sadd.s32 $0x88, s3;
	s6 =	simm.s32 @!p1 $0x1082;
	[sflag:s4] =	ssyncset.s32 $0xFFFFF086  }
0x25: {  	[simem:s6], [sflag:s4] =	dma.local [hbm:s3], $0xF7A  }
0x26: {  	[smem:$0x3F98] =	sst s1;
	(tag) =	ssettag s2;
	_ =	strace s9  }
0x27: {  	s1 =	sld [smem:$0x3FA8]  }
0x28: {  	s2 =	sld [smem:$0x3FA9]  }
0x29: {  	s4 =	sld [smem:$0x3FAB]  }
0x2a: {  	p0 =	seq.s32 s5, $0x0;
	s5 =	sld [smem:$0x3FAC]  }
0x2b: {  	s6 =	sld [smem:$0x3FAD]  }
0x2c: {  	s7 =	sld [smem:$0x3FAE]  }
0x2d: {  	s3 =	simm.s32 $0x108;
	s8 =	sld [smem:$0x3FAF]  }
0x2e: {  	s3 =	simm.s32 @!p0 $0x1082;
	s9 =	sld [smem:$0x3FB0]  }
0x2f: {  	lr =	sadd.s32 s0, s3;
	s0 =	sld [smem:$0x3FA7]  }
0x30: {  	s3 =	sld [smem:$0x3FAA]  }
0x31: {  	[smem:$0x3FB3] =	sst s10  }
0x32: {  	s10 =	sld [smem:$0x3FB1];
	_ =	sdelay $0x3  }
0x33: {  	p0 =	seq.s32 s10, $0x1;
	s10 =	sld [smem:$0x3FB3];
	_ =	sdelay $0x3  }
0x34: {  	[smem:$0x3FB3] =	sst s10  }
0x35: {  	s10 =	sld [smem:$0x3FB2];
	_ =	sdelay $0x3  }
0x36: {  	p1 =	seq.s32 s10, $0x1;
	s10 =	sld [smem:$0x3FB3];
	_ =	sdelay $0x3  }
0x37: {  	[smem:$0x3FB3] =	sst s10  }
0x38: {  	s10 =	sld [smem:$0x3FB4]  }
0x39: {  	_ = 	snop;
	(pc) =	sbr.ind lr, $3  }
0x3a: {  	_ = 	snop  }
0x3b: {  	_ = 	snop  }
0x3c: {  	p2 =	seq.s32 s10, $0x1;
	s10 =	sld [smem:$0x3FB3]  }
0x3d: {  	_ =	shalt  }
0x3e: {  	_ =	shalt  }
0x3f: {  	_ =	shalt  }
0x40: {  	_ =	shalt  }
0x41: {  	_ =	shalt  }
0x42: {  	_ =	shalt  }
0x43: {  	_ =	shalt  }
0x44: {  	_ =	shalt  }
0x45: {  	_ =	shalt  }
0x46: {  	_ =	shalt  }
0x47: {  	_ =	shalt  }
0x48: {  	_ =	shalt  }
0x49: {  	_ =	shalt  }
0x4a: {  	_ =	shalt  }
0x4b: {  	_ =	shalt  }
0x4c: {  	_ =	shalt  }
0x4d: {  	_ =	shalt  }
0x4e: {  	_ =	shalt  }
0x4f: {  	_ =	shalt  }
0x50: {  	_ =	shalt  }
0x51: {  	_ =	shalt  }
0x52: {  	_ =	shalt  }
0x53: {  	_ =	shalt  }
0x54: {  	_ =	shalt  }
0x55: {  	_ =	shalt  }
0x56: {  	_ =	shalt  }
0x57: {  	_ =	shalt  }
0x58: {  	_ =	shalt  }
0x59: {  	_ =	shalt  }
0x5a: {  	_ =	shalt  }
0x5b: {  	_ =	shalt  }
0x5c: {  	_ =	shalt  }
0x5d: {  	_ =	shalt  }
0x5e: {  	_ =	shalt  }
0x5f: {  	_ =	shalt  }
0x60: {  	_ =	shalt  }
0x61: {  	_ =	shalt  }
0x62: {  	_ =	shalt  }
0x63: {  	_ =	shalt  }
0x64: {  	_ =	shalt  }
0x65: {  	_ =	shalt  }
0x66: {  	_ =	shalt  }
0x67: {  	_ =	shalt  }
0x68: {  	_ =	shalt  }
0x69: {  	_ =	shalt  }
0x6a: {  	_ =	shalt  }
0x6b: {  	_ =	shalt  }
0x6c: {  	_ =	shalt  }
0x6d: {  	_ =	shalt  }
0x6e: {  	_ =	shalt  }
0x6f: {  	_ =	shalt  }
0x70: {  	_ =	shalt  }
0x71: {  	_ =	shalt  }
0x72: {  	_ =	shalt  }
0x73: {  	_ =	shalt  }
0x74: {  	_ =	shalt  }
0x75: {  	_ =	shalt  }
0x76: {  	_ =	shalt  }
0x77: {  	_ =	shalt  }
0x78: {  	_ =	shalt  }
0x79: {  	_ =	shalt  }
0x7a: {  	_ =	shalt  }
0x7b: {  	_ =	shalt  }
0x7c: {  	_ =	shalt  }
0x7d: {  	_ =	shalt  }
0x7e: {  	_ =	shalt  }
0x7f: {  	_ =	shalt  }
0x80: {  	_ =	shalt  }
0x81: {  	_ =	shalt  }
0x82: {  	_ =	shalt  }
0x83: {  	_ =	shalt  }
0x84: {  	_ =	shalt  }
0x85: {  	_ =	shalt  }
0x86: {  	_ =	shalt  }
0x87: {  	_ =	shalt  }
.Lfunc_end0:
.L_simem_size_0:
called_computation_lowered:
.L_overlay_start_0:
0x88: {  	s2 =	sld [smem:$0x3FD9]  }
0x89: {  	s3 =	sld [smem:$0x3FFE];
	_ =	sdelay $0x1  }
0x8a: {  	s1 =	srdreg.scid  }
0x8b: {  	s0 =	sand.u32 $0x1, s1  }
0x8c: {  	s16 =	sshll.u32 s0, $0xA;
	s2 =	sadd.s32 s3, s2  }
0x8d: {  	s2 =	sadd.s32 s2, s16  }
0x8e: {  	[smem:$0x3FBF] =	sst s2  }
0x8f: {  	_ = 	snop  }
0x90: {  	(tm) =	ssettm $0x1  }
0x91: {  	s17 =	sld [smem:$0x3FFB];
	_ =	sdelay $0x3  }
0x92: {  	_ =	strace s17  }
0x93: {  	s2 =	sld [smem:$0x3FFC];
	_ =	sdelay $0x3  }
0x94: {  	_ =	strace s2  }
0x95: {  	s2 =	sld [smem:$0x3FFD];
	_ =	sdelay $0x3  }
0x96: {  	_ =	strace s2  }
0x97: {  	_ =	strace $0x8FFFFFFF  }
0x98: {  	s18 =	sld [smem:$0x3FDB];
	_ =	sdelay $0x1  }
0x99: {  	s19 =	simm.s32 $_scs_section_size  }
0x9a: {  	s4 =	simm.s32 $_size__tile_overlayer_lowered;
	s5 =	simm.s32 $_tile_overlayer_lowered  }
0x9b: {  	s22 =	simm.s32 $0x1BFF;
	s21 =	sshll.u32 s5, $0x1;
	s2 =	sadd.s32 s19, s18  }
0x9c: {  	s6 =	simm.s32 $0x0;
	s20 =	sshll.u32 s4, $0x1;
	s4 =	sadd.s32 s21, s2  }
0x9d: {  	[timem:s6], [sflag:s22] =	dma.local [hbm:s4], s20  }
0x9e: {  	_ =	swait.ge [sflag:s22], s20  }
0x9f: {  	s3 =	ssub.s32 $0x0, s20;
	[sflag:s22] =	ssyncset.done $0x0  }
0xa0: {  	[sflag:s22] =	ssyncadd.s32 s3;
	_ =	sdelay $0x1  }
0xa1: {  	s23 =	simm.s32 $0x1B8B  }
0xa2: {  	_ =	swait.ge [sflag:s23], $0x1  }
0xa3: {  	[sflag:s23] =	ssyncset.done $0x0  }
0xa4: {  	s25 =	simm.s32 $0x1B8E;
	s24 =	sld [smem:$0x3FFE];
	[sflag:s23] =	ssyncadd.s32 $0xFFFFFFFF  }
0xa5: {  	s26 =	simm.s32 $execute0_lowered;
	[smem:$0x3FD2] =	sst s25  }
0xa6: {  	s4 =	sshll.u32 s26, $0x1;
	_ =	strace $0x80000046;
	[dreg:$0x1] =	wrdreg $0xFFFFFFFF  }
0xa7: {  	s28 =	simm.s32 $_size_execute0_lowered;
	s2 =	sadd.s32 s2, s4;
	[dreg:$0x0] =	wrdreg $0x0  }
0xa8: {  	s4 =	sshll.u32 s28, $0x1;
	[dreg:$0x2] =	wrdreg s2  }
0xa9: {  	[dreg:$0x3] =	wrdreg s4  }
0xaa: {  	[dreg:$0x4] =	wrdreg $0xC0  }
0xab: {  	_ =	task [dreg:s6], $0x5FFFF  }
0xac: {  	[dreg:$0x1] =	wrdreg $0xFFFFFFFF  }
0xad: {  	[dreg:$0x0] =	wrdreg $0x60  }
0xae: {  	[dreg:$0x2] =	wrdreg s24  }
0xaf: {  	[dreg:$0x3] =	wrdreg $0x9  }
0xb0: {  	_ =	task.clear_ibuf [dreg:s6], $0x4FFFF;
	_ =	strace $0x90000046  }
0xb1: {  	s29 =	simm.s32 $0x9;
	_ =	strace $0x80000048  }
0xb2: {  	_ =	swait.ge [sflag:s29], $0x1  }
0xb3: {  	[sflag:s29] =	ssyncadd.s32 $0xFFFFFFFF  }
0xb4: {  	_ =	strace $0x90000048  }
0xb5: {  	_ =	sfence  }
0xb6: {  	s30 =	sld [smem:$0x0];
	_ =	sdelay $0x2  }
0xb7: {  	s31 =	sshll.u32 s1, $0xD;
	s1 =	sshrl.u32 s1, $0x2  }
0xb8: {  	s3 =	sand.u32 $0x4000, s31;
	s1 =	sadd.s32 s1, s30  }
0xb9: {  	s0 =	sor.u32 s3, s0;
	s1 =	sshll.u32 s1, $0x11  }
0xba: {  	s0 =	sor.u32 s1, s0  }
0xbb: {  	s0 =	sadd.s32 $0x8F2B, s0  }
0xbc: {  	[sflag:s0] =	ssyncadd.remote.s32 $0x1  }
0xbd: {  	_ =	sfence.sel $0xFFFF  }
0xbe: {  	[dreg:$0x0] =	wrdreg $0xFFFFFFFF;
	(pc) =	sbr.abs _section_cstart, $3  }
0xbf: {  	[dreg:$0x1] =	wrdreg $0xFFFFFFFF  }
0xc0: {  	_ =	task.clear_ibuf [dreg:s6], $0x2FFFF;
	_ =	strace $0x9FFFFFFF  }
0xc1: {  	(tm) =	ssettm $0x7FFFFFFF  }
tec
execute0_lowered:
.L_overlay_start_1:
0x0: {  	(tag) =	ssettag $0x1  }
0x1: {  	s0 =	srdreg.scid  }
0x2: {  	s3 =	sand.u32 $0x1, s0  }
0x3: {  	s0 =	stileid.u32;
	s1 =	sshll.u32 s3, $0x4  }
0x4: {  	s5 =	rddreg [dreg:$0x0];
	s2 =	simm.s32 $0x0;
	s1 =	sor.u32 s0, s1  }
0x5: {  	s7 =	simm.s32 $0x400;
	s8 =	simm.s32 $0x1;
	s1 =	sshrl.u32 s1, $0x3  }
0x6: {  	s9 =	simm.s32 $0x2800;
	s30 =	sshll.u32 s0, $0x7;
	s4 =	smul.u32 $0x14000, s1  }
0x7: {  	s10 =	simm.s32 $0x0;
	s3 =	ssub.s32 $0x2, s3;
	s6 =	sand.u32 $0x380, s30  }
0x8: {  	[smem:$0x7FF] =	sst s2;
	s31 =	sshrl.u32 s3, $0x1;
	s4 =	sor.u32 s6, s4  }
0x9: {  	s1 =	rddreg [dreg:$0x1];
	_ =	strace $0x80000047;
	s4 =	sshrl.u32 s4, $0x3  }
0xa: {  	s6 =	simm.s32 $0x80;
	s4 =	sadd.s32 s4, s5;
	s5 =	ssub.s32 s3, s31  }
0xb: {  	v0 =	vimm.f32 $0.0e+00;
	v1 =	vimm.f32 $1.000000000e+00;
	s3 =	sadd.s32 $0xCE00, s4;
	s4 =	sadd.s32 $0x16E00, s4;
	s5 =	smax.u32 s5, $0x1  }
.LBB2_1:
0xc: {  	[tilespmem:s2], [sflag:$0x1] =	stream.strided.gather [hbm4b:s3+s6], $0x2800, s7, s6, $0x38;
	[tilespmem:$0x5000] =	vst v63  }
0xd: {  	_ =	swait.ge [sflag:s8], $0x2800  }
0xe: {  	[sflag:s8] =	ssyncset.done $0x0  }
0xf: {  	s11 =	simm.s32 $0x0;
	[sflag:s8] =	ssyncadd.s32 $0xFFFFD800  }
.LBB2_2:
0x10: {  	p0 =	sne.s32 s11, $0x9FC0  }
.Ltmp0:
0x11: {  	_ = 	snop;
	(pc) =	sbr.rel @p0 .LBB2_2-.Ltmp0, $3  }
0x12: {  	_ =	sdelay $0x1  }
0x13: {  	s12 =	sshra.s32 s11, $0x2  }
0x14: {  	s11 =	sadd.s32 $0x40, s11;
	[tilespmem:s12+$0x2800] =	vst v0  }
0x15: {  	s12 =	simm.s32 $0x0;
	s11 =	simm.s32 $0x40  }
.LBB2_4:
0x16: {  	p0 =	sne.s32 s11, $0x9FC0;
	v2 =	vld [tilespmem:s12+$0x0];
	_ =	sdelay $0x3  }
.Ltmp1:
0x17: {  	(pc) =	sbr.rel @p0 .LBB2_4-.Ltmp1, $2  }
0x18: {  	_ =	sdelay $0x2  }
0x19: {  	s12 =	sshra.s32 s11, $0x2;
	s11 =	sadd.s32 $0x40, s11;
	[tilespmem:v2+s9+$0x0] =	vst.idx.add.f32.msk $0xffff, v1  }
0x1a: {  	v2 =	vld [tilespmem:s12+$0x0];
	_ =	sdelay $0x5  }
0x1b: {  	s10 =	sadd.s32 $0x1, s10  }
0x1c: {  	p0 =	sne.s32 s10, s5  }
.Ltmp2:
0x1d: {  	[tilespmem:v2+s9+$0x0] =	vst.idx.add.f32.msk $0xffff, v1;
	(pc) =	sbr.rel @p0 .LBB2_1-.Ltmp2, $4  }
0x1e: {  	[hbm4b:s4+s6] =	stream.strided.scatter [tilespmem:s9], [sflag:$0x1], $0x2800, s7, s6, $0x38;
	[tilespmem:$0x5000] =	vst v63  }
0x1f: {  	_ =	swait.ge [sflag:s8], $0x2800  }
0x20: {  	[sflag:s8] =	ssyncset.done $0x0  }
0x21: {  	[sflag:s8] =	ssyncadd.s32 $0xFFFFD800  }
0x22: {  	_ =	sfence.sel $0x180000  }
0x23: {  	[bflag:$0x0] =	sbarrier.arrive $0xFFFF  }
0x24: {  	p0 =	sne.s32 s0, $0x0;
	_ =	strace $0x90000047  }
0x25: {  	s0 =	sadd.s32 @!p0 $0x100000, s1;
	[bflag:$0x2] =	sbarrier.arrive $0xFFFF  }
0x26: {  	[sflag:s0] =	ssyncadd.tile.s32 @!p0 $0x1;
	_ =	shalt  }
.Lfunc_end2:
_tile_overlayer_lowered:
.L_overlay_start_2:
0x27: {  	(tag) =	ssettag $0x2  }
0x28: {  	s0 =	rddreg [dreg:$0x0];
	s2 =	stileid.u32  }
0x29: {  	s1 =	rddreg [dreg:$0x1];
	p0 =	sne.s32 s2, $0x0  }
0x2a: {  	s3 =	rddreg [dreg:$0x2];
	[bflag:$0x3] =	sbarrier.arrive $0xFFFF;
	s2 =	simm.s32 @!p0 $0x1C01  }
0x2b: {  	[timem:s3], [sflag:s2] =	dma.local @!p0 [hbm:s0], s1  }
0x2c: {  	s0 =	simm.s32 @!p0 $0x1  }
0x2d: {  	_ =	swait.ge @!p0 [sflag:s0], s1  }
0x2e: {  	s1 =	ssub.s32 @!p0 $0x0, s1;
	[sflag:s0] =	ssyncset.done @!p0 $0x0  }
0x2f: {  	[sflag:s0] =	ssyncadd.s32 @!p0 s1  }
0x30: {  	[bflag:$0x3] =	sbarrier.arrive $0xFFFF  }
0x31: {  	_ =	shalt  }

</sc_bundles>
